<compile_context>
chip_gen: v7x
topology: tpu7x:2x2x1
jax: 0.10.2.dev20260603
libtpu: 0.0.44.dev20260713+nightly
codegen_flags: <defaults>
</compile_context>

<pallas_src>
import jax
import jax.numpy as jnp
import numpy as np
from jax import lax
from jax.experimental import pallas as pl
from jax.experimental.pallas import tpu as pltpu
from jax.experimental.pallas import tpu_sc as plsc

_B, _K, _G = 32, 8192, 16
_L = 16
_CHUNKS = _K // _L
_CLIP = 256.0
_EPS = float(np.finfo(np.float32).eps)
_BIG = np.uint32(0x7FFFFFFF)

_mesh = plsc.VectorSubcoreMesh(
    core_axis_name="c", subcore_axis_name="s", num_cores=2, num_subcores=16
)


_SCRATCH = [
    pltpu.VMEM((_K // 128, 2, 128), jnp.float32),
    pltpu.VMEM((_K,), jnp.float32),
    pltpu.VMEM((3 * _G,), jnp.float32),
    pltpu.VMEM((2 * _L,), jnp.float32),
    pltpu.VMEM((2 * _L,), jnp.float32),
    pltpu.VMEM((2 * _L,), jnp.int32),
    pltpu.VMEM((2 * _L,), jnp.float32),
    pltpu.VMEM((_K,), jnp.int32),
    pltpu.SemaphoreType.DMA,
    pltpu.SemaphoreType.DMA,
]


def _tile_body(loc_hbm, pri_hbm, tgt_hbm, out_hbm,
               loc_v, pri_v, tgt_v, s_v, e_v, k_v, ob_v, bk_v, sem, psem):
    cid = lax.axis_index("c")
    sid = lax.axis_index("s")
    wid = sid * 2 + cid

    loc_cp = pltpu.async_copy(loc_hbm.at[wid], loc_v, sem)
    pri_cp = pltpu.async_copy(pri_hbm, pri_v, psem)
    pltpu.sync_copy(tgt_hbm.at[wid], tgt_v)

    iota = lax.iota(jnp.int32, _L)

    starts = plsc.load_gather(tgt_v, [3 * iota])
    ends = plsc.load_gather(tgt_v, [3 * iota + 1])
    s256 = starts * _CLIP
    e256 = ends * _CLIP
    area_bits = plsc.bitcast(e256 - s256, jnp.int32)
    keys = (area_bits & np.int32(~0xF)) | iota
    s_v[pl.ds(_L, _L)] = s256
    e_v[pl.ds(_L, _L)] = e256
    k_v[pl.ds(_L, _L)] = keys

    sg = []
    eg = []
    kg = []
    for g in range(_G):
        gidx = jnp.full((_L,), _L + g, jnp.int32)
        sg.append(plsc.load_gather(s_v, [gidx]))
        eg.append(plsc.load_gather(e_v, [gidx]))
        kg.append(plsc.bitcast(plsc.load_gather(k_v, [gidx]), jnp.uint32))

    def scan_g(c256, g_lo, g_hi, best):
        for g in range(g_lo, g_hi):
            hit = (c256 >= sg[g]) & (c256 <= eg[g])
            best = jnp.minimum(best, jnp.where(hit, kg[g], _BIG))
        return best

    big = jnp.full((_L,), _BIG, jnp.uint32)
    pri_cp.wait()

    def chunk_a(i, carry):
        c256 = pri_v[pl.ds(i * _L, _L)] * _CLIP
        best = scan_g(c256, 0, _G // 2, big)
        bk_v[pl.ds(i * _L, _L)] = plsc.bitcast(best, jnp.int32)
        return carry

    lax.fori_loop(0, _CHUNKS, chunk_a, 0)
    loc_cp.wait()

    def chunk_b(i, carry):
        sacc, cacc = carry
        c256 = pri_v[pl.ds(i * _L, _L)] * _CLIP
        best = scan_g(c256, _G // 2, _G, big)
        prev = plsc.bitcast(bk_v[pl.ds(i * _L, _L)], jnp.uint32)
        best = jnp.minimum(best, prev)
        gsel = (plsc.bitcast(best, jnp.int32) & 0xF) + _L
        t_l = plsc.load_gather(s_v, [gsel])
        t_r = plsc.load_gather(e_v, [gsel])
        t_l = c256 - t_l
        t_r = t_r - c256
        kt = lax.shift_right_logical(i, 3)
        j = (i & 7) * _L
        p_l = jnp.maximum(loc_v[kt, 0, pl.ds(j, _L)], 0.0)
        p_r = jnp.maximum(loc_v[kt, 1, pl.ds(j, _L)], 0.0)
        inter = jnp.minimum(p_l, t_l) + jnp.minimum(p_r, t_r)
        union = (t_l + t_r) + (p_l + p_r) - inter
        iou = inter / jnp.maximum(union, _EPS)
        pos = best < _BIG
        sacc = sacc + jnp.where(pos, 1.0 - iou, 0.0)
        cacc = cacc + jnp.where(pos, 1.0, 0.0)
        return sacc, cacc

    z = jnp.zeros((_L,), jnp.float32)
    sacc, cacc = lax.fori_loop(0, _CHUNKS, chunk_b, (z, z))
    ob_v[pl.ds(0, _L)] = sacc
    ob_v[pl.ds(_L, _L)] = cacc
    pltpu.sync_copy(ob_v, out_hbm.at[wid])


_loc_loss_partials = pl.kernel(
    _tile_body,
    out_type=jax.ShapeDtypeStruct((_B, 2 * _L), jnp.float32),
    mesh=_mesh,
    scratch_types=_SCRATCH,
    compiler_params=pltpu.CompilerParams(needs_layout_passes=False),
)


def kernel(loc_data, priors, targets):
    loc_blk = loc_data.reshape(_B, _K // 128, 128, 2).transpose(0, 1, 3, 2)
    parts = _loc_loss_partials(loc_blk, priors.reshape(_K),
                               targets.reshape(_B, 3 * _G))
    masked_sum = jnp.sum(parts[:, :_L])
    num_pos = jnp.sum(parts[:, _L:])
    p = jnp.maximum(num_pos, 1.0)
    return jnp.where(num_pos > 0, masked_sum / p, 0.0) / p

# --- scband reference (transcript-rebuilt; emitter-appended) ---
"""Pipeline reference for scband-loc-loss-35613868818664 (READ-ONLY COPY).

The authoritative reference and input builder live on the scoring server;
editing this copy changes nothing except your own understanding.
"""

import jax, jax.numpy as jnp
import numpy as np

CLIP_LENGTH = 256
NUM_CLASSES = 21


def setup_inputs(seed: int = 0) -> dict:
    key = jax.random.key(seed)
    k1, k2, k3, k4, k5 = jax.random.split(key, 5)
    B, K, G = 32, 8192, 16
    # predicted (left, right) offsets, nonnegative-ish like real regression heads
    loc_data = jax.random.uniform(k1, (B, K, 2), dtype=jnp.float32) * 0.5
    # prior centers in [0, 1)
    priors = jax.random.uniform(k2, (K, 1), dtype=jnp.float32)
    # ground-truth segments: start < end in [0,1], labels in [1, NUM_CLASSES)
    starts = jax.random.uniform(k3, (B, G), dtype=jnp.float32) * 0.7
    lens = jax.random.uniform(k4, (B, G), dtype=jnp.float32) * 0.25 + 0.02
    ends = jnp.minimum(starts + lens, 1.0)
    labels = jax.random.randint(k5, (B, G), 1, NUM_CLASSES).astype(jnp.float32)
    targets = jnp.concatenate([starts[..., None], ends[..., None], labels[..., None]], axis=2)
    return {"loc_data": loc_data, "priors": priors, "targets": targets}


def _match(priors, targets, clip_length):
    # priors: [K,1], targets: [B,G,3]
    center = priors[:, 0]                      # [K]
    truths = targets[:, :, :2]                 # [B,G,2]
    labels = targets[:, :, 2]                  # [B,G]
    left = (center[None, :, None] - truths[:, None, :, 0]) * clip_length   # [B,K,G]
    right = (truths[:, None, :, 1] - center[None, :, None]) * clip_length  # [B,K,G]
    area = left + right
    maxn = float(clip_length * 2)
    area = jnp.where(left < 0, maxn, area)
    area = jnp.where(right < 0, maxn, area)
    best_area = jnp.min(area, axis=2)          # [B,K]
    best_idx = jnp.argmin(area, axis=2)        # [B,K] (first min, like torch)
    t0 = jnp.take_along_axis(truths[:, :, 0], best_idx, axis=1)  # [B,K]
    t1 = jnp.take_along_axis(truths[:, :, 1], best_idx, axis=1)  # [B,K]
    loc_t = jnp.stack([(center[None, :] - t0) * clip_length,
                       (t1 - center[None, :]) * clip_length], axis=2)  # [B,K,2]
    conf = jnp.take_along_axis(labels, best_idx, axis=1)         # [B,K]
    conf = jnp.where(best_area >= maxn, 0.0, conf)
    conf_t = conf.astype(jnp.int32)            # LongTensor cast (floor for positive floats)
    return loc_t, conf_t


def reference(loc_data, priors, targets):
    loc_t, conf_t = _match(priors, targets, CLIP_LENGTH)
    pos = conf_t > 0                           # [B,K]
    num_pos = jnp.sum(pos)
    eps = jnp.float32(np.finfo(np.float32).eps)
    # iou_loss(loc_p.clamp(min=0), loc_target, loss_type='liou', reduction='mean')
    pred = jnp.clip(loc_data, 0.0, None)
    pl, pr = pred[..., 0], pred[..., 1]
    tl, tr = loc_t[..., 0], loc_t[..., 1]
    inter = jnp.minimum(pl, tl) + jnp.minimum(pr, tr)
    union = (tl + tr) + (pl + pr) - inter
    ious = inter / jnp.clip(union, eps, None)
    loss_each = 1.0 - ious                     # [B,K]
    masked_sum = jnp.sum(jnp.where(pos, loss_each, 0.0))
    P = jnp.maximum(num_pos.astype(jnp.float32), 1.0)
    loss_l = jnp.where(num_pos > 0, masked_sum / P, 0.0)  # mean over positives (0 if none)
    loss_l = loss_l / P                        # loss_l /= N, N = max(pos.sum(), 1)
    return loss_l

if __name__ == "__main__":
    import jax
    _d = setup_inputs()
    print(jax.jit(kernel)(*tuple(_d.values())))

</pallas_src>

<mosaic_0001>
#map = affine_map<(d0, d1) -> (0, 0, 0, 0)>
#map1 = affine_map<(d0, d1) -> (0)>
#map2 = affine_map<(d0, d1) -> (0, 0)>
module attributes {stable_mosaic.version = 14 : i64} {
  func.func @_tile_body(%arg0: i32, %arg1: i32, %arg2: memref<32x64x2x128xf32, #tpu.memory_space<hbm>>, %arg3: memref<8192xf32, #tpu.memory_space<hbm>>, %arg4: memref<32x48xf32, #tpu.memory_space<hbm>>, %arg5: memref<32x32xf32, #tpu.memory_space<hbm>>, %arg6: memref<64x2x128xf32, #tpu.memory_space<vmem>>, %arg7: memref<8192xf32, #tpu.memory_space<vmem>>, %arg8: memref<48xf32, #tpu.memory_space<vmem>>, %arg9: memref<32xf32, #tpu.memory_space<vmem>>, %arg10: memref<32xf32, #tpu.memory_space<vmem>>, %arg11: memref<32xi32, #tpu.memory_space<vmem>>, %arg12: memref<32xf32, #tpu.memory_space<vmem>>, %arg13: memref<8192xi32, #tpu.memory_space<vmem>>, %arg14: memref<!tpu.dma_semaphore, #tpu.memory_space<semaphore_mem>>, %arg15: memref<!tpu.dma_semaphore, #tpu.memory_space<semaphore_mem>>) attributes {dimension_semantics = [#tpu.dimension_semantics<core_parallel>, #tpu.dimension_semantics<subcore_parallel>], iteration_bounds = array<i64: 2, 16>, scalar_prefetch = 0 : i64, scratch_operands = 10 : i64, tpu.core_type = #tpu.core_type<sc_vector_subcore>, window_params = [{transform_indices = #map}, {transform_indices = #map1}, {transform_indices = #map2}, {transform_indices = #map2}]} {
    %mul3A = arith.constant 2 : i32
    %mul3A_0 = arith.muli %arg1, %mul3A : i32
    %add3A = arith.addi %mul3A_0, %arg0 : i32
    %dma_start3A = arith.constant 0 : i32
    %dma_start3A_1 = arith.constant 0 : i32
    %dma_start3A_2 = arith.constant 0 : i32
    %dma_start3A_3 = tpu.memref_slice %arg2[%add3A, %dma_start3A, %dma_start3A_1, %dma_start3A_2] : memref<32x64x2x128xf32, #tpu.memory_space<hbm>> -> memref<1x64x2x128xf32, #tpu.memory_space<hbm>>
    %dma_start3A_4 = tpu.memref_squeeze %dma_start3A_3 : memref<1x64x2x128xf32, #tpu.memory_space<hbm>> -> memref<64x2x128xf32, #tpu.memory_space<hbm>>
    %dma_start3A_5 = arith.constant 0 : i32
    %dma_start3A_6 = arith.constant 0 : i32
    %dma_start3A_7 = arith.constant 0 : i32
    %dma_start3A_8 = tpu.memref_slice %arg2[%add3A, %dma_start3A_5, %dma_start3A_6, %dma_start3A_7] : memref<32x64x2x128xf32, #tpu.memory_space<hbm>> -> memref<1x64x2x128xf32, #tpu.memory_space<hbm>>
    %dma_start3A_9 = tpu.memref_squeeze %dma_start3A_8 : memref<1x64x2x128xf32, #tpu.memory_space<hbm>> -> memref<64x2x128xf32, #tpu.memory_space<hbm>>
    tpu.enqueue_dma source(%dma_start3A_9 : memref<64x2x128xf32, #tpu.memory_space<hbm>>) target(%arg6 : memref<64x2x128xf32, #tpu.memory_space<vmem>>) target_semaphore(%arg14 : memref<!tpu.dma_semaphore, #tpu.memory_space<semaphore_mem>>)
    tpu.enqueue_dma source(%arg3 : memref<8192xf32, #tpu.memory_space<hbm>>) target(%arg7 : memref<8192xf32, #tpu.memory_space<vmem>>) target_semaphore(%arg15 : memref<!tpu.dma_semaphore, #tpu.memory_space<semaphore_mem>>)
    "tpu.region"() ({
      %run_scoped3A = tpu.sem_alloc : memref<!tpu.dma_semaphore, #tpu.memory_space<semaphore_mem>>
      %dma_start3A_156 = arith.constant 0 : i32
      %dma_start3A_157 = tpu.memref_slice %arg4[%add3A, %dma_start3A_156] : memref<32x48xf32, #tpu.memory_space<hbm>> -> memref<1x48xf32, #tpu.memory_space<hbm>>
      %dma_start3A_158 = tpu.memref_squeeze %dma_start3A_157 : memref<1x48xf32, #tpu.memory_space<hbm>> -> memref<48xf32, #tpu.memory_space<hbm>>
      %dma_start3A_159 = arith.constant 0 : i32
      %dma_start3A_160 = tpu.memref_slice %arg4[%add3A, %dma_start3A_159] : memref<32x48xf32, #tpu.memory_space<hbm>> -> memref<1x48xf32, #tpu.memory_space<hbm>>
      %dma_start3A_161 = tpu.memref_squeeze %dma_start3A_160 : memref<1x48xf32, #tpu.memory_space<hbm>> -> memref<48xf32, #tpu.memory_space<hbm>>
      tpu.enqueue_dma source(%dma_start3A_161 : memref<48xf32, #tpu.memory_space<hbm>>) target(%arg8 : memref<48xf32, #tpu.memory_space<vmem>>) target_semaphore(%run_scoped3A : memref<!tpu.dma_semaphore, #tpu.memory_space<semaphore_mem>>)
      %dma_wait3A_162 = arith.constant 0 : i32
      %dma_wait3A_163 = tpu.memref_slice %arg4[%add3A, %dma_wait3A_162] : memref<32x48xf32, #tpu.memory_space<hbm>> -> memref<1x48xf32, #tpu.memory_space<hbm>>
      %dma_wait3A_164 = tpu.memref_squeeze %dma_wait3A_163 : memref<1x48xf32, #tpu.memory_space<hbm>> -> memref<48xf32, #tpu.memory_space<hbm>>
      %dma_wait3A_165 = arith.constant 0 : i32
      %dma_wait3A_166 = tpu.memref_slice %arg4[%add3A, %dma_wait3A_165] : memref<32x48xf32, #tpu.memory_space<hbm>> -> memref<1x48xf32, #tpu.memory_space<hbm>>
      %dma_wait3A_167 = tpu.memref_squeeze %dma_wait3A_166 : memref<1x48xf32, #tpu.memory_space<hbm>> -> memref<48xf32, #tpu.memory_space<hbm>>
      tpu.wait_dma2 semaphore(%run_scoped3A : memref<!tpu.dma_semaphore, #tpu.memory_space<semaphore_mem>>) src(%dma_wait3A_167 : memref<48xf32, #tpu.memory_space<hbm>>) dst(%arg8 : memref<48xf32, #tpu.memory_space<vmem>>)
      tpu.yield
    }) : () -> ()
    %iota3A = tpu.iota {dimensions = array<i32: 0>} : vector<16xi32>
    %mul3A_10 = arith.constant 3 : i32
    %mul3A_11 = vector.broadcast %mul3A_10 : i32 to vector<16xi32>
    %mul3A_12 = arith.muli %mul3A_11, %iota3A : vector<16xi32>
    %gather3A = tpu.vector_load_idx %arg8[%mul3A_12] : memref<48xf32, #tpu.memory_space<vmem>>[vector<16xi32>], vector<16xf32>,
    %mul3A_13 = arith.constant 3 : i32
    %mul3A_14 = vector.broadcast %mul3A_13 : i32 to vector<16xi32>
    %mul3A_15 = arith.muli %mul3A_14, %iota3A : vector<16xi32>
    %add3A_16 = arith.constant 1 : i32
    %add3A_17 = vector.broadcast %add3A_16 : i32 to vector<16xi32>
    %add3A_18 = arith.addi %mul3A_15, %add3A_17 : vector<16xi32>
    %gather3A_19 = tpu.vector_load_idx %arg8[%add3A_18] : memref<48xf32, #tpu.memory_space<vmem>>[vector<16xi32>], vector<16xf32>,
    %mul3A_20 = arith.constant 2.560000e+02 : f32
    %mul3A_21 = vector.broadcast %mul3A_20 : f32 to vector<16xf32>
    %mul3A_22 = arith.mulf %gather3A, %mul3A_21 : vector<16xf32>
    %mul3A_23 = arith.constant 2.560000e+02 : f32
    %mul3A_24 = vector.broadcast %mul3A_23 : f32 to vector<16xf32>
    %mul3A_25 = arith.mulf %gather3A_19, %mul3A_24 : vector<16xf32>
    %sub3A = arith.subf %mul3A_25, %mul3A_22 : vector<16xf32>
    %bitcast3A = vector.bitcast %sub3A : vector<16xf32> to vector<16xi32>
    %and3A = arith.constant -16 : i32
    %and3A_26 = vector.broadcast %and3A : i32 to vector<16xi32>
    %and3A_27 = arith.andi %bitcast3A, %and3A_26 : vector<16xi32>
    %or3A = arith.ori %and3A_27, %iota3A : vector<16xi32>
    %swap3A = arith.constant 16 : index
    %swap3A_28 = tpu.vector_load %arg9[%swap3A] {strides = array<i32>} : memref<32xf32, #tpu.memory_space<vmem>>, vector<16xf32>,
    tpu.vector_store %arg9[%swap3A], %mul3A_22 {strides = array<i32>} : memref<32xf32, #tpu.memory_space<vmem>>, vector<16xf32>,
    %swap3A_29 = arith.constant 16 : index
    %swap3A_30 = tpu.vector_load %arg10[%swap3A_29] {strides = array<i32>} : memref<32xf32, #tpu.memory_space<vmem>>, vector<16xf32>,
    tpu.vector_store %arg10[%swap3A_29], %mul3A_25 {strides = array<i32>} : memref<32xf32, #tpu.memory_space<vmem>>, vector<16xf32>,
    %swap3A_31 = arith.constant 16 : index
    %swap3A_32 = tpu.vector_load %arg11[%swap3A_31] {strides = array<i32>} : memref<32xi32, #tpu.memory_space<vmem>>, vector<16xi32>,
    tpu.vector_store %arg11[%swap3A_31], %or3A {strides = array<i32>} : memref<32xi32, #tpu.memory_space<vmem>>, vector<16xi32>,
    %broadcast_in_dim3A = arith.constant 16 : i32
    %broadcast_in_dim3A_33 = vector.broadcast %broadcast_in_dim3A : i32 to vector<16xi32>
    %gather3A_34 = tpu.vector_load_idx %arg9[%broadcast_in_dim3A_33] : memref<32xf32, #tpu.memory_space<vmem>>[vector<16xi32>], vector<16xf32>,
    %gather3A_35 = tpu.vector_load_idx %arg10[%broadcast_in_dim3A_33] : memref<32xf32, #tpu.memory_space<vmem>>[vector<16xi32>], vector<16xf32>,
    %gather3A_36 = tpu.vector_load_idx %arg11[%broadcast_in_dim3A_33] : memref<32xi32, #tpu.memory_space<vmem>>[vector<16xi32>], vector<16xi32>,
    %bitcast3A_37 = vector.bitcast %gather3A_36 : vector<16xi32> to vector<16xi32>
    %broadcast_in_dim3A_38 = arith.constant 17 : i32
    %broadcast_in_dim3A_39 = vector.broadcast %broadcast_in_dim3A_38 : i32 to vector<16xi32>
    %gather3A_40 = tpu.vector_load_idx %arg9[%broadcast_in_dim3A_39] : memref<32xf32, #tpu.memory_space<vmem>>[vector<16xi32>], vector<16xf32>,
    %gather3A_41 = tpu.vector_load_idx %arg10[%broadcast_in_dim3A_39] : memref<32xf32, #tpu.memory_space<vmem>>[vector<16xi32>], vector<16xf32>,
    %gather3A_42 = tpu.vector_load_idx %arg11[%broadcast_in_dim3A_39] : memref<32xi32, #tpu.memory_space<vmem>>[vector<16xi32>], vector<16xi32>,
    %bitcast3A_43 = vector.bitcast %gather3A_42 : vector<16xi32> to vector<16xi32>
    %broadcast_in_dim3A_44 = arith.constant 18 : i32
    %broadcast_in_dim3A_45 = vector.broadcast %broadcast_in_dim3A_44 : i32 to vector<16xi32>
    %gather3A_46 = tpu.vector_load_idx %arg9[%broadcast_in_dim3A_45] : memref<32xf32, #tpu.memory_space<vmem>>[vector<16xi32>], vector<16xf32>,
    %gather3A_47 = tpu.vector_load_idx %arg10[%broadcast_in_dim3A_45] : memref<32xf32, #tpu.memory_space<vmem>>[vector<16xi32>], vector<16xf32>,
    %gather3A_48 = tpu.vector_load_idx %arg11[%broadcast_in_dim3A_45] : memref<32xi32, #tpu.memory_space<vmem>>[vector<16xi32>], vector<16xi32>,
    %bitcast3A_49 = vector.bitcast %gather3A_48 : vector<16xi32> to vector<16xi32>
    %broadcast_in_dim3A_50 = arith.constant 19 : i32
    %broadcast_in_dim3A_51 = vector.broadcast %broadcast_in_dim3A_50 : i32 to vector<16xi32>
    %gather3A_52 = tpu.vector_load_idx %arg9[%broadcast_in_dim3A_51] : memref<32xf32, #tpu.memory_space<vmem>>[vector<16xi32>], vector<16xf32>,
    %gather3A_53 = tpu.vector_load_idx %arg10[%broadcast_in_dim3A_51] : memref<32xf32, #tpu.memory_space<vmem>>[vector<16xi32>], vector<16xf32>,
    %gather3A_54 = tpu.vector_load_idx %arg11[%broadcast_in_dim3A_51] : memref<32xi32, #tpu.memory_space<vmem>>[vector<16xi32>], vector<16xi32>,
    %bitcast3A_55 = vector.bitcast %gather3A_54 : vector<16xi32> to vector<16xi32>
    %broadcast_in_dim3A_56 = arith.constant 20 : i32
    %broadcast_in_dim3A_57 = vector.broadcast %broadcast_in_dim3A_56 : i32 to vector<16xi32>
    %gather3A_58 = tpu.vector_load_idx %arg9[%broadcast_in_dim3A_57] : memref<32xf32, #tpu.memory_space<vmem>>[vector<16xi32>], vector<16xf32>,
    %gather3A_59 = tpu.vector_load_idx %arg10[%broadcast_in_dim3A_57] : memref<32xf32, #tpu.memory_space<vmem>>[vector<16xi32>], vector<16xf32>,
    %gather3A_60 = tpu.vector_load_idx %arg11[%broadcast_in_dim3A_57] : memref<32xi32, #tpu.memory_space<vmem>>[vector<16xi32>], vector<16xi32>,
    %bitcast3A_61 = vector.bitcast %gather3A_60 : vector<16xi32> to vector<16xi32>
    %broadcast_in_dim3A_62 = arith.constant 21 : i32
    %broadcast_in_dim3A_63 = vector.broadcast %broadcast_in_dim3A_62 : i32 to vector<16xi32>
    %gather3A_64 = tpu.vector_load_idx %arg9[%broadcast_in_dim3A_63] : memref<32xf32, #tpu.memory_space<vmem>>[vector<16xi32>], vector<16xf32>,
    %gather3A_65 = tpu.vector_load_idx %arg10[%broadcast_in_dim3A_63] : memref<32xf32, #tpu.memory_space<vmem>>[vector<16xi32>], vector<16xf32>,
    %gather3A_66 = tpu.vector_load_idx %arg11[%broadcast_in_dim3A_63] : memref<32xi32, #tpu.memory_space<vmem>>[vector<16xi32>], vector<16xi32>,
    %bitcast3A_67 = vector.bitcast %gather3A_66 : vector<16xi32> to vector<16xi32>
    %broadcast_in_dim3A_68 = arith.constant 22 : i32
    %broadcast_in_dim3A_69 = vector.broadcast %broadcast_in_dim3A_68 : i32 to vector<16xi32>
    %gather3A_70 = tpu.vector_load_idx %arg9[%broadcast_in_dim3A_69] : memref<32xf32, #tpu.memory_space<vmem>>[vector<16xi32>], vector<16xf32>,
    %gather3A_71 = tpu.vector_load_idx %arg10[%broadcast_in_dim3A_69] : memref<32xf32, #tpu.memory_space<vmem>>[vector<16xi32>], vector<16xf32>,
    %gather3A_72 = tpu.vector_load_idx %arg11[%broadcast_in_dim3A_69] : memref<32xi32, #tpu.memory_space<vmem>>[vector<16xi32>], vector<16xi32>,
    %bitcast3A_73 = vector.bitcast %gather3A_72 : vector<16xi32> to vector<16xi32>
    %broadcast_in_dim3A_74 = arith.constant 23 : i32
    %broadcast_in_dim3A_75 = vector.broadcast %broadcast_in_dim3A_74 : i32 to vector<16xi32>
    %gather3A_76 = tpu.vector_load_idx %arg9[%broadcast_in_dim3A_75] : memref<32xf32, #tpu.memory_space<vmem>>[vector<16xi32>], vector<16xf32>,
    %gather3A_77 = tpu.vector_load_idx %arg10[%broadcast_in_dim3A_75] : memref<32xf32, #tpu.memory_space<vmem>>[vector<16xi32>], vector<16xf32>,
    %gather3A_78 = tpu.vector_load_idx %arg11[%broadcast_in_dim3A_75] : memref<32xi32, #tpu.memory_space<vmem>>[vector<16xi32>], vector<16xi32>,
    %bitcast3A_79 = vector.bitcast %gather3A_78 : vector<16xi32> to vector<16xi32>
    %broadcast_in_dim3A_80 = arith.constant 24 : i32
    %broadcast_in_dim3A_81 = vector.broadcast %broadcast_in_dim3A_80 : i32 to vector<16xi32>
    %gather3A_82 = tpu.vector_load_idx %arg9[%broadcast_in_dim3A_81] : memref<32xf32, #tpu.memory_space<vmem>>[vector<16xi32>], vector<16xf32>,
    %gather3A_83 = tpu.vector_load_idx %arg10[%broadcast_in_dim3A_81] : memref<32xf32, #tpu.memory_space<vmem>>[vector<16xi32>], vector<16xf32>,
    %gather3A_84 = tpu.vector_load_idx %arg11[%broadcast_in_dim3A_81] : memref<32xi32, #tpu.memory_space<vmem>>[vector<16xi32>], vector<16xi32>,
    %bitcast3A_85 = vector.bitcast %gather3A_84 : vector<16xi32> to vector<16xi32>
    %broadcast_in_dim3A_86 = arith.constant 25 : i32
    %broadcast_in_dim3A_87 = vector.broadcast %broadcast_in_dim3A_86 : i32 to vector<16xi32>
    %gather3A_88 = tpu.vector_load_idx %arg9[%broadcast_in_dim3A_87] : memref<32xf32, #tpu.memory_space<vmem>>[vector<16xi32>], vector<16xf32>,
    %gather3A_89 = tpu.vector_load_idx %arg10[%broadcast_in_dim3A_87] : memref<32xf32, #tpu.memory_space<vmem>>[vector<16xi32>], vector<16xf32>,
    %gather3A_90 = tpu.vector_load_idx %arg11[%broadcast_in_dim3A_87] : memref<32xi32, #tpu.memory_space<vmem>>[vector<16xi32>], vector<16xi32>,
    %bitcast3A_91 = vector.bitcast %gather3A_90 : vector<16xi32> to vector<16xi32>
    %broadcast_in_dim3A_92 = arith.constant 26 : i32
    %broadcast_in_dim3A_93 = vector.broadcast %broadcast_in_dim3A_92 : i32 to vector<16xi32>
    %gather3A_94 = tpu.vector_load_idx %arg9[%broadcast_in_dim3A_93] : memref<32xf32, #tpu.memory_space<vmem>>[vector<16xi32>], vector<16xf32>,
    %gather3A_95 = tpu.vector_load_idx %arg10[%broadcast_in_dim3A_93] : memref<32xf32, #tpu.memory_space<vmem>>[vector<16xi32>], vector<16xf32>,
    %gather3A_96 = tpu.vector_load_idx %arg11[%broadcast_in_dim3A_93] : memref<32xi32, #tpu.memory_space<vmem>>[vector<16xi32>], vector<16xi32>,
    %bitcast3A_97 = vector.bitcast %gather3A_96 : vector<16xi32> to vector<16xi32>
    %broadcast_in_dim3A_98 = arith.constant 27 : i32
    %broadcast_in_dim3A_99 = vector.broadcast %broadcast_in_dim3A_98 : i32 to vector<16xi32>
    %gather3A_100 = tpu.vector_load_idx %arg9[%broadcast_in_dim3A_99] : memref<32xf32, #tpu.memory_space<vmem>>[vector<16xi32>], vector<16xf32>,
    %gather3A_101 = tpu.vector_load_idx %arg10[%broadcast_in_dim3A_99] : memref<32xf32, #tpu.memory_space<vmem>>[vector<16xi32>], vector<16xf32>,
    %gather3A_102 = tpu.vector_load_idx %arg11[%broadcast_in_dim3A_99] : memref<32xi32, #tpu.memory_space<vmem>>[vector<16xi32>], vector<16xi32>,
    %bitcast3A_103 = vector.bitcast %gather3A_102 : vector<16xi32> to vector<16xi32>
    %broadcast_in_dim3A_104 = arith.constant 28 : i32
    %broadcast_in_dim3A_105 = vector.broadcast %broadcast_in_dim3A_104 : i32 to vector<16xi32>
    %gather3A_106 = tpu.vector_load_idx %arg9[%broadcast_in_dim3A_105] : memref<32xf32, #tpu.memory_space<vmem>>[vector<16xi32>], vector<16xf32>,
    %gather3A_107 = tpu.vector_load_idx %arg10[%broadcast_in_dim3A_105] : memref<32xf32, #tpu.memory_space<vmem>>[vector<16xi32>], vector<16xf32>,
    %gather3A_108 = tpu.vector_load_idx %arg11[%broadcast_in_dim3A_105] : memref<32xi32, #tpu.memory_space<vmem>>[vector<16xi32>], vector<16xi32>,
    %bitcast3A_109 = vector.bitcast %gather3A_108 : vector<16xi32> to vector<16xi32>
    %broadcast_in_dim3A_110 = arith.constant 29 : i32
    %broadcast_in_dim3A_111 = vector.broadcast %broadcast_in_dim3A_110 : i32 to vector<16xi32>
    %gather3A_112 = tpu.vector_load_idx %arg9[%broadcast_in_dim3A_111] : memref<32xf32, #tpu.memory_space<vmem>>[vector<16xi32>], vector<16xf32>,
    %gather3A_113 = tpu.vector_load_idx %arg10[%broadcast_in_dim3A_111] : memref<32xf32, #tpu.memory_space<vmem>>[vector<16xi32>], vector<16xf32>,
    %gather3A_114 = tpu.vector_load_idx %arg11[%broadcast_in_dim3A_111] : memref<32xi32, #tpu.memory_space<vmem>>[vector<16xi32>], vector<16xi32>,
    %bitcast3A_115 = vector.bitcast %gather3A_114 : vector<16xi32> to vector<16xi32>
    %broadcast_in_dim3A_116 = arith.constant 30 : i32
    %broadcast_in_dim3A_117 = vector.broadcast %broadcast_in_dim3A_116 : i32 to vector<16xi32>
    %gather3A_118 = tpu.vector_load_idx %arg9[%broadcast_in_dim3A_117] : memref<32xf32, #tpu.memory_space<vmem>>[vector<16xi32>], vector<16xf32>,
    %gather3A_119 = tpu.vector_load_idx %arg10[%broadcast_in_dim3A_117] : memref<32xf32, #tpu.memory_space<vmem>>[vector<16xi32>], vector<16xf32>,
    %gather3A_120 = tpu.vector_load_idx %arg11[%broadcast_in_dim3A_117] : memref<32xi32, #tpu.memory_space<vmem>>[vector<16xi32>], vector<16xi32>,
    %bitcast3A_121 = vector.bitcast %gather3A_120 : vector<16xi32> to vector<16xi32>
    %broadcast_in_dim3A_122 = arith.constant 31 : i32
    %broadcast_in_dim3A_123 = vector.broadcast %broadcast_in_dim3A_122 : i32 to vector<16xi32>
    %gather3A_124 = tpu.vector_load_idx %arg9[%broadcast_in_dim3A_123] : memref<32xf32, #tpu.memory_space<vmem>>[vector<16xi32>], vector<16xf32>,
    %gather3A_125 = tpu.vector_load_idx %arg10[%broadcast_in_dim3A_123] : memref<32xf32, #tpu.memory_space<vmem>>[vector<16xi32>], vector<16xf32>,
    %gather3A_126 = tpu.vector_load_idx %arg11[%broadcast_in_dim3A_123] : memref<32xi32, #tpu.memory_space<vmem>>[vector<16xi32>], vector<16xi32>,
    %bitcast3A_127 = vector.bitcast %gather3A_126 : vector<16xi32> to vector<16xi32>
    %broadcast_in_dim3A_128 = arith.constant 2147483647 : i32
    %broadcast_in_dim3A_129 = vector.broadcast %broadcast_in_dim3A_128 : i32 to vector<16xi32>
    tpu.wait_dma2 semaphore(%arg15 : memref<!tpu.dma_semaphore, #tpu.memory_space<semaphore_mem>>) src(%arg3 : memref<8192xf32, #tpu.memory_space<hbm>>) dst(%arg7 : memref<8192xf32, #tpu.memory_space<vmem>>)
    %scan3A = arith.constant 0 : i32
    %scan3A_130 = arith.constant 0 : i32
    %scan3A_131 = arith.constant 512 : i32
    %scan3A_132 = arith.addi %scan3A_130, %scan3A_131 : i32
    %scan3A_133 = arith.constant 1 : i32
    scf.for %scan3A_156 = %scan3A_130 to %scan3A_132 step %scan3A_133  : i32 {
      %mul3A_157 = arith.constant 16 : i32
      %mul3A_158 = arith.muli %scan3A_156, %mul3A_157 : i32
      %get3A = arith.index_cast %mul3A_158 : i32 to index
      %get3A_159 = tpu.vector_load %arg7[%get3A] {strides = array<i32>} : memref<8192xf32, #tpu.memory_space<vmem>>, vector<16xf32>,
      %mul3A_160 = arith.constant 2.560000e+02 : f32
      %mul3A_161 = vector.broadcast %mul3A_160 : f32 to vector<16xf32>
      %mul3A_162 = arith.mulf %get3A_159, %mul3A_161 : vector<16xf32>
      %ge3A = arith.cmpf oge, %mul3A_162, %gather3A_34 : vector<16xf32>
      %le3A = arith.cmpf ole, %mul3A_162, %gather3A_35 : vector<16xf32>
      %and3A_163 = arith.andi %ge3A, %le3A : vector<16xi1>
      %jit3A = arith.constant 2147483647 : i32
      %broadcast_in_dim3A_164 = vector.broadcast %jit3A : i32 to vector<16xi32>
      %select_n3A = arith.select %and3A_163, %bitcast3A_37, %broadcast_in_dim3A_164 : vector<16xi1>, vector<16xi32>
      %min3A = arith.minui %broadcast_in_dim3A_129, %select_n3A : vector<16xi32>
      %ge3A_165 = arith.cmpf oge, %mul3A_162, %gather3A_40 : vector<16xf32>
      %le3A_166 = arith.cmpf ole, %mul3A_162, %gather3A_41 : vector<16xf32>
      %and3A_167 = arith.andi %ge3A_165, %le3A_166 : vector<16xi1>
      %jit3A_168 = arith.constant 2147483647 : i32
      %broadcast_in_dim3A_169 = vector.broadcast %jit3A_168 : i32 to vector<16xi32>
      %select_n3A_170 = arith.select %and3A_167, %bitcast3A_43, %broadcast_in_dim3A_169 : vector<16xi1>, vector<16xi32>
      %min3A_171 = arith.minui %min3A, %select_n3A_170 : vector<16xi32>
      %ge3A_172 = arith.cmpf oge, %mul3A_162, %gather3A_46 : vector<16xf32>
      %le3A_173 = arith.cmpf ole, %mul3A_162, %gather3A_47 : vector<16xf32>
      %and3A_174 = arith.andi %ge3A_172, %le3A_173 : vector<16xi1>
      %jit3A_175 = arith.constant 2147483647 : i32
      %broadcast_in_dim3A_176 = vector.broadcast %jit3A_175 : i32 to vector<16xi32>
      %select_n3A_177 = arith.select %and3A_174, %bitcast3A_49, %broadcast_in_dim3A_176 : vector<16xi1>, vector<16xi32>
      %min3A_178 = arith.minui %min3A_171, %select_n3A_177 : vector<16xi32>
      %ge3A_179 = arith.cmpf oge, %mul3A_162, %gather3A_52 : vector<16xf32>
      %le3A_180 = arith.cmpf ole, %mul3A_162, %gather3A_53 : vector<16xf32>
      %and3A_181 = arith.andi %ge3A_179, %le3A_180 : vector<16xi1>
      %jit3A_182 = arith.constant 2147483647 : i32
      %broadcast_in_dim3A_183 = vector.broadcast %jit3A_182 : i32 to vector<16xi32>
      %select_n3A_184 = arith.select %and3A_181, %bitcast3A_55, %broadcast_in_dim3A_183 : vector<16xi1>, vector<16xi32>
      %min3A_185 = arith.minui %min3A_178, %select_n3A_184 : vector<16xi32>
      %ge3A_186 = arith.cmpf oge, %mul3A_162, %gather3A_58 : vector<16xf32>
      %le3A_187 = arith.cmpf ole, %mul3A_162, %gather3A_59 : vector<16xf32>
      %and3A_188 = arith.andi %ge3A_186, %le3A_187 : vector<16xi1>
      %jit3A_189 = arith.constant 2147483647 : i32
      %broadcast_in_dim3A_190 = vector.broadcast %jit3A_189 : i32 to vector<16xi32>
      %select_n3A_191 = arith.select %and3A_188, %bitcast3A_61, %broadcast_in_dim3A_190 : vector<16xi1>, vector<16xi32>
      %min3A_192 = arith.minui %min3A_185, %select_n3A_191 : vector<16xi32>
      %ge3A_193 = arith.cmpf oge, %mul3A_162, %gather3A_64 : vector<16xf32>
      %le3A_194 = arith.cmpf ole, %mul3A_162, %gather3A_65 : vector<16xf32>
      %and3A_195 = arith.andi %ge3A_193, %le3A_194 : vector<16xi1>
      %jit3A_196 = arith.constant 2147483647 : i32
      %broadcast_in_dim3A_197 = vector.broadcast %jit3A_196 : i32 to vector<16xi32>
      %select_n3A_198 = arith.select %and3A_195, %bitcast3A_67, %broadcast_in_dim3A_197 : vector<16xi1>, vector<16xi32>
      %min3A_199 = arith.minui %min3A_192, %select_n3A_198 : vector<16xi32>
      %ge3A_200 = arith.cmpf oge, %mul3A_162, %gather3A_70 : vector<16xf32>
      %le3A_201 = arith.cmpf ole, %mul3A_162, %gather3A_71 : vector<16xf32>
      %and3A_202 = arith.andi %ge3A_200, %le3A_201 : vector<16xi1>
      %jit3A_203 = arith.constant 2147483647 : i32
      %broadcast_in_dim3A_204 = vector.broadcast %jit3A_203 : i32 to vector<16xi32>
      %select_n3A_205 = arith.select %and3A_202, %bitcast3A_73, %broadcast_in_dim3A_204 : vector<16xi1>, vector<16xi32>
      %min3A_206 = arith.minui %min3A_199, %select_n3A_205 : vector<16xi32>
      %ge3A_207 = arith.cmpf oge, %mul3A_162, %gather3A_76 : vector<16xf32>
      %le3A_208 = arith.cmpf ole, %mul3A_162, %gather3A_77 : vector<16xf32>
      %and3A_209 = arith.andi %ge3A_207, %le3A_208 : vector<16xi1>
      %jit3A_210 = arith.constant 2147483647 : i32
      %broadcast_in_dim3A_211 = vector.broadcast %jit3A_210 : i32 to vector<16xi32>
      %select_n3A_212 = arith.select %and3A_209, %bitcast3A_79, %broadcast_in_dim3A_211 : vector<16xi1>, vector<16xi32>
      %min3A_213 = arith.minui %min3A_206, %select_n3A_212 : vector<16xi32>
      %bitcast3A_214 = vector.bitcast %min3A_213 : vector<16xi32> to vector<16xi32>
      %mul3A_215 = arith.constant 16 : i32
      %mul3A_216 = arith.muli %scan3A_156, %mul3A_215 : i32
      %swap3A_217 = arith.index_cast %mul3A_216 : i32 to index
      %swap3A_218 = tpu.vector_load %arg13[%swap3A_217] {strides = array<i32>} : memref<8192xi32, #tpu.memory_space<vmem>>, vector<16xi32>,
      tpu.vector_store %arg13[%swap3A_217], %bitcast3A_214 {strides = array<i32>} : memref<8192xi32, #tpu.memory_space<vmem>>, vector<16xi32>,
    }
    %scan3A_134 = arith.constant 512 : i32
    %dma_wait3A = arith.constant 0 : i32
    %dma_wait3A_135 = arith.constant 0 : i32
    %dma_wait3A_136 = arith.constant 0 : i32
    %dma_wait3A_137 = tpu.memref_slice %arg2[%add3A, %dma_wait3A, %dma_wait3A_135, %dma_wait3A_136] : memref<32x64x2x128xf32, #tpu.memory_space<hbm>> -> memref<1x64x2x128xf32, #tpu.memory_space<hbm>>
    %dma_wait3A_138 = tpu.memref_squeeze %dma_wait3A_137 : memref<1x64x2x128xf32, #tpu.memory_space<hbm>> -> memref<64x2x128xf32, #tpu.memory_space<hbm>>
    %dma_wait3A_139 = arith.constant 0 : i32
    %dma_wait3A_140 = arith.constant 0 : i32
    %dma_wait3A_141 = arith.constant 0 : i32
    %dma_wait3A_142 = tpu.memref_slice %arg2[%add3A, %dma_wait3A_139, %dma_wait3A_140, %dma_wait3A_141] : memref<32x64x2x128xf32, #tpu.memory_space<hbm>> -> memref<1x64x2x128xf32, #tpu.memory_space<hbm>>
    %dma_wait3A_143 = tpu.memref_squeeze %dma_wait3A_142 : memref<1x64x2x128xf32, #tpu.memory_space<hbm>> -> memref<64x2x128xf32, #tpu.memory_space<hbm>>
    tpu.wait_dma2 semaphore(%arg14 : memref<!tpu.dma_semaphore, #tpu.memory_space<semaphore_mem>>) src(%dma_wait3A_143 : memref<64x2x128xf32, #tpu.memory_space<hbm>>) dst(%arg6 : memref<64x2x128xf32, #tpu.memory_space<vmem>>)
    %broadcast_in_dim3A_144 = arith.constant 0.000000e+00 : f32
    %broadcast_in_dim3A_145 = vector.broadcast %broadcast_in_dim3A_144 : f32 to vector<16xf32>
    %scan3A_146 = arith.constant 0 : i32
    %scan3A_147 = arith.constant 512 : i32
    %scan3A_148 = arith.addi %scan3A_146, %scan3A_147 : i32
    %scan3A_149 = arith.constant 1 : i32
    %scan3A_150:2 = scf.for %scan3A_156 = %scan3A_146 to %scan3A_148 step %scan3A_149 iter_args(%scan3A_157 = %broadcast_in_dim3A_145, %scan3A_158 = %broadcast_in_dim3A_145) -> (vector<16xf32>, vector<16xf32>)  : i32 {
      %mul3A_159 = arith.constant 16 : i32
      %mul3A_160 = arith.muli %scan3A_156, %mul3A_159 : i32
      %get3A = arith.index_cast %mul3A_160 : i32 to index
      %get3A_161 = tpu.vector_load %arg7[%get3A] {strides = array<i32>} : memref<8192xf32, #tpu.memory_space<vmem>>, vector<16xf32>,
      %mul3A_162 = arith.constant 2.560000e+02 : f32
      %mul3A_163 = vector.broadcast %mul3A_162 : f32 to vector<16xf32>
      %mul3A_164 = arith.mulf %get3A_161, %mul3A_163 : vector<16xf32>
      %ge3A = arith.cmpf oge, %mul3A_164, %gather3A_82 : vector<16xf32>
      %le3A = arith.cmpf ole, %mul3A_164, %gather3A_83 : vector<16xf32>
      %and3A_165 = arith.andi %ge3A, %le3A : vector<16xi1>
      %jit3A = arith.constant 2147483647 : i32
      %broadcast_in_dim3A_166 = vector.broadcast %jit3A : i32 to vector<16xi32>
      %select_n3A = arith.select %and3A_165, %bitcast3A_85, %broadcast_in_dim3A_166 : vector<16xi1>, vector<16xi32>
      %min3A = arith.minui %broadcast_in_dim3A_129, %select_n3A : vector<16xi32>
      %ge3A_167 = arith.cmpf oge, %mul3A_164, %gather3A_88 : vector<16xf32>
      %le3A_168 = arith.cmpf ole, %mul3A_164, %gather3A_89 : vector<16xf32>
      %and3A_169 = arith.andi %ge3A_167, %le3A_168 : vector<16xi1>
      %jit3A_170 = arith.constant 2147483647 : i32
      %broadcast_in_dim3A_171 = vector.broadcast %jit3A_170 : i32 to vector<16xi32>
      %select_n3A_172 = arith.select %and3A_169, %bitcast3A_91, %broadcast_in_dim3A_171 : vector<16xi1>, vector<16xi32>
      %min3A_173 = arith.minui %min3A, %select_n3A_172 : vector<16xi32>
      %ge3A_174 = arith.cmpf oge, %mul3A_164, %gather3A_94 : vector<16xf32>
      %le3A_175 = arith.cmpf ole, %mul3A_164, %gather3A_95 : vector<16xf32>
      %and3A_176 = arith.andi %ge3A_174, %le3A_175 : vector<16xi1>
      %jit3A_177 = arith.constant 2147483647 : i32
      %broadcast_in_dim3A_178 = vector.broadcast %jit3A_177 : i32 to vector<16xi32>
      %select_n3A_179 = arith.select %and3A_176, %bitcast3A_97, %broadcast_in_dim3A_178 : vector<16xi1>, vector<16xi32>
      %min3A_180 = arith.minui %min3A_173, %select_n3A_179 : vector<16xi32>
      %ge3A_181 = arith.cmpf oge, %mul3A_164, %gather3A_100 : vector<16xf32>
      %le3A_182 = arith.cmpf ole, %mul3A_164, %gather3A_101 : vector<16xf32>
      %and3A_183 = arith.andi %ge3A_181, %le3A_182 : vector<16xi1>
      %jit3A_184 = arith.constant 2147483647 : i32
      %broadcast_in_dim3A_185 = vector.broadcast %jit3A_184 : i32 to vector<16xi32>
      %select_n3A_186 = arith.select %and3A_183, %bitcast3A_103, %broadcast_in_dim3A_185 : vector<16xi1>, vector<16xi32>
      %min3A_187 = arith.minui %min3A_180, %select_n3A_186 : vector<16xi32>
      %ge3A_188 = arith.cmpf oge, %mul3A_164, %gather3A_106 : vector<16xf32>
      %le3A_189 = arith.cmpf ole, %mul3A_164, %gather3A_107 : vector<16xf32>
      %and3A_190 = arith.andi %ge3A_188, %le3A_189 : vector<16xi1>
      %jit3A_191 = arith.constant 2147483647 : i32
      %broadcast_in_dim3A_192 = vector.broadcast %jit3A_191 : i32 to vector<16xi32>
      %select_n3A_193 = arith.select %and3A_190, %bitcast3A_109, %broadcast_in_dim3A_192 : vector<16xi1>, vector<16xi32>
      %min3A_194 = arith.minui %min3A_187, %select_n3A_193 : vector<16xi32>
      %ge3A_195 = arith.cmpf oge, %mul3A_164, %gather3A_112 : vector<16xf32>
      %le3A_196 = arith.cmpf ole, %mul3A_164, %gather3A_113 : vector<16xf32>
      %and3A_197 = arith.andi %ge3A_195, %le3A_196 : vector<16xi1>
      %jit3A_198 = arith.constant 2147483647 : i32
      %broadcast_in_dim3A_199 = vector.broadcast %jit3A_198 : i32 to vector<16xi32>
      %select_n3A_200 = arith.select %and3A_197, %bitcast3A_115, %broadcast_in_dim3A_199 : vector<16xi1>, vector<16xi32>
      %min3A_201 = arith.minui %min3A_194, %select_n3A_200 : vector<16xi32>
      %ge3A_202 = arith.cmpf oge, %mul3A_164, %gather3A_118 : vector<16xf32>
      %le3A_203 = arith.cmpf ole, %mul3A_164, %gather3A_119 : vector<16xf32>
      %and3A_204 = arith.andi %ge3A_202, %le3A_203 : vector<16xi1>
      %jit3A_205 = arith.constant 2147483647 : i32
      %broadcast_in_dim3A_206 = vector.broadcast %jit3A_205 : i32 to vector<16xi32>
      %select_n3A_207 = arith.select %and3A_204, %bitcast3A_121, %broadcast_in_dim3A_206 : vector<16xi1>, vector<16xi32>
      %min3A_208 = arith.minui %min3A_201, %select_n3A_207 : vector<16xi32>
      %ge3A_209 = arith.cmpf oge, %mul3A_164, %gather3A_124 : vector<16xf32>
      %le3A_210 = arith.cmpf ole, %mul3A_164, %gather3A_125 : vector<16xf32>
      %and3A_211 = arith.andi %ge3A_209, %le3A_210 : vector<16xi1>
      %jit3A_212 = arith.constant 2147483647 : i32
      %broadcast_in_dim3A_213 = vector.broadcast %jit3A_212 : i32 to vector<16xi32>
      %select_n3A_214 = arith.select %and3A_211, %bitcast3A_127, %broadcast_in_dim3A_213 : vector<16xi1>, vector<16xi32>
      %min3A_215 = arith.minui %min3A_208, %select_n3A_214 : vector<16xi32>
      %mul3A_216 = arith.constant 16 : i32
      %mul3A_217 = arith.muli %scan3A_156, %mul3A_216 : i32
      %get3A_218 = arith.index_cast %mul3A_217 : i32 to index
      %get3A_219 = tpu.vector_load %arg13[%get3A_218] {strides = array<i32>} : memref<8192xi32, #tpu.memory_space<vmem>>, vector<16xi32>,
      %bitcast3A_220 = vector.bitcast %get3A_219 : vector<16xi32> to vector<16xi32>
      %min3A_221 = arith.minui %min3A_215, %bitcast3A_220 : vector<16xi32>
      %bitcast3A_222 = vector.bitcast %min3A_221 : vector<16xi32> to vector<16xi32>
      %and3A_223 = arith.constant 15 : i32
      %and3A_224 = vector.broadcast %and3A_223 : i32 to vector<16xi32>
      %and3A_225 = arith.andi %bitcast3A_222, %and3A_224 : vector<16xi32>
      %add3A_226 = arith.constant 16 : i32
      %add3A_227 = vector.broadcast %add3A_226 : i32 to vector<16xi32>
      %add3A_228 = arith.addi %and3A_225, %add3A_227 : vector<16xi32>
      %gather3A_229 = tpu.vector_load_idx %arg9[%add3A_228] : memref<32xf32, #tpu.memory_space<vmem>>[vector<16xi32>], vector<16xf32>,
      %gather3A_230 = tpu.vector_load_idx %arg10[%add3A_228] : memref<32xf32, #tpu.memory_space<vmem>>[vector<16xi32>], vector<16xf32>,
      %sub3A_231 = arith.subf %mul3A_164, %gather3A_229 : vector<16xf32>
      %sub3A_232 = arith.subf %gather3A_230, %mul3A_164 : vector<16xf32>
      %shift_right_logical3A = arith.constant 3 : i32
      %shift_right_logical3A_233 = arith.shrui %scan3A_156, %shift_right_logical3A : i32
      %and3A_234 = arith.constant 7 : i32
      %and3A_235 = arith.andi %scan3A_156, %and3A_234 : i32
      %mul3A_236 = arith.constant 16 : i32
      %mul3A_237 = arith.muli %and3A_235, %mul3A_236 : i32
      %get3A_238 = arith.constant 0 : i32
      %get3A_239 = arith.index_cast %shift_right_logical3A_233 : i32 to index
      %get3A_240 = arith.index_cast %get3A_238 : i32 to index
      %get3A_241 = arith.index_cast %mul3A_237 : i32 to index
      %get3A_242 = tpu.vector_load %arg6[%get3A_239, %get3A_240, %get3A_241] {strides = array<i32>} : memref<64x2x128xf32, #tpu.memory_space<vmem>>, vector<16xf32>,
      %max3A = arith.constant 0.000000e+00 : f32
      %max3A_243 = vector.broadcast %max3A : f32 to vector<16xf32>
      %max3A_244 = arith.maximumf %get3A_242, %max3A_243 : vector<16xf32>
      %get3A_245 = arith.constant 1 : i32
      %get3A_246 = arith.index_cast %shift_right_logical3A_233 : i32 to index
      %get3A_247 = arith.index_cast %get3A_245 : i32 to index
      %get3A_248 = arith.index_cast %mul3A_237 : i32 to index
      %get3A_249 = tpu.vector_load %arg6[%get3A_246, %get3A_247, %get3A_248] {strides = array<i32>} : memref<64x2x128xf32, #tpu.memory_space<vmem>>, vector<16xf32>,
      %max3A_250 = arith.constant 0.000000e+00 : f32
      %max3A_251 = vector.broadcast %max3A_250 : f32 to vector<16xf32>
      %max3A_252 = arith.maximumf %get3A_249, %max3A_251 : vector<16xf32>
      %min3A_253 = arith.minimumf %max3A_244, %sub3A_231 : vector<16xf32>
      %min3A_254 = arith.minimumf %max3A_252, %sub3A_232 : vector<16xf32>
      %add3A_255 = arith.addf %min3A_253, %min3A_254 : vector<16xf32>
      %add3A_256 = arith.addf %sub3A_231, %sub3A_232 : vector<16xf32>
      %add3A_257 = arith.addf %max3A_244, %max3A_252 : vector<16xf32>
      %add3A_258 = arith.addf %add3A_256, %add3A_257 : vector<16xf32>
      %sub3A_259 = arith.subf %add3A_258, %add3A_255 : vector<16xf32>
      %max3A_260 = arith.constant 1.1920929E-7 : f32
      %max3A_261 = vector.broadcast %max3A_260 : f32 to vector<16xf32>
      %max3A_262 = arith.maximumf %sub3A_259, %max3A_261 : vector<16xf32>
      %div3A = arith.divf %add3A_255, %max3A_262 : vector<16xf32>
      %lt3A = arith.constant 2147483647 : i32
      %lt3A_263 = vector.broadcast %lt3A : i32 to vector<16xi32>
      %lt3A_264 = arith.cmpi ult, %min3A_221, %lt3A_263 : vector<16xi32>
      %sub3A_265 = arith.constant 1.000000e+00 : f32
      %sub3A_266 = vector.broadcast %sub3A_265 : f32 to vector<16xf32>
      %sub3A_267 = arith.subf %sub3A_266, %div3A : vector<16xf32>
      %jit3A_268 = arith.constant 0.000000e+00 : f32
      %broadcast_in_dim3A_269 = vector.broadcast %jit3A_268 : f32 to vector<16xf32>
      %select_n3A_270 = arith.select %lt3A_264, %sub3A_267, %broadcast_in_dim3A_269 : vector<16xi1>, vector<16xf32>
      %add3A_271 = arith.addf %scan3A_157, %select_n3A_270 : vector<16xf32>
      %jit3A_272 = arith.constant 1.000000e+00 : f32
      %jit3A_273 = arith.constant 0.000000e+00 : f32
      %broadcast_in_dim3A_274 = vector.broadcast %jit3A_272 : f32 to vector<16xf32>
      %broadcast_in_dim3A_275 = vector.broadcast %jit3A_273 : f32 to vector<16xf32>
      %select_n3A_276 = arith.select %lt3A_264, %broadcast_in_dim3A_274, %broadcast_in_dim3A_275 : vector<16xi1>, vector<16xf32>
      %add3A_277 = arith.addf %scan3A_158, %select_n3A_276 : vector<16xf32>
      scf.yield %add3A_271, %add3A_277 : vector<16xf32>, vector<16xf32>
    }
    %scan3A_151 = arith.constant 512 : i32
    %swap3A_152 = arith.constant 0 : index
    %swap3A_153 = tpu.vector_load %arg12[%swap3A_152] {strides = array<i32>} : memref<32xf32, #tpu.memory_space<vmem>>, vector<16xf32>,
    tpu.vector_store %arg12[%swap3A_152], %scan3A_150#0 {strides = array<i32>} : memref<32xf32, #tpu.memory_space<vmem>>, vector<16xf32>,
    %swap3A_154 = arith.constant 16 : index
    %swap3A_155 = tpu.vector_load %arg12[%swap3A_154] {strides = array<i32>} : memref<32xf32, #tpu.memory_space<vmem>>, vector<16xf32>,
    tpu.vector_store %arg12[%swap3A_154], %scan3A_150#1 {strides = array<i32>} : memref<32xf32, #tpu.memory_space<vmem>>, vector<16xf32>,
    "tpu.region"() ({
      %run_scoped3A = tpu.sem_alloc : memref<!tpu.dma_semaphore, #tpu.memory_space<semaphore_mem>>
      %dma_start3A_156 = arith.constant 0 : i32
      %dma_start3A_157 = tpu.memref_slice %arg5[%add3A, %dma_start3A_156] : memref<32x32xf32, #tpu.memory_space<hbm>> -> memref<1x32xf32, #tpu.memory_space<hbm>>
      %dma_start3A_158 = tpu.memref_squeeze %dma_start3A_157 : memref<1x32xf32, #tpu.memory_space<hbm>> -> memref<32xf32, #tpu.memory_space<hbm>>
      %dma_start3A_159 = arith.constant 0 : i32
      %dma_start3A_160 = tpu.memref_slice %arg5[%add3A, %dma_start3A_159] : memref<32x32xf32, #tpu.memory_space<hbm>> -> memref<1x32xf32, #tpu.memory_space<hbm>>
      %dma_start3A_161 = tpu.memref_squeeze %dma_start3A_160 : memref<1x32xf32, #tpu.memory_space<hbm>> -> memref<32xf32, #tpu.memory_space<hbm>>
      tpu.enqueue_dma source(%arg12 : memref<32xf32, #tpu.memory_space<vmem>>) target(%dma_start3A_161 : memref<32xf32, #tpu.memory_space<hbm>>) target_semaphore(%run_scoped3A : memref<!tpu.dma_semaphore, #tpu.memory_space<semaphore_mem>>)
      %dma_wait3A_162 = arith.constant 0 : i32
      %dma_wait3A_163 = tpu.memref_slice %arg5[%add3A, %dma_wait3A_162] : memref<32x32xf32, #tpu.memory_space<hbm>> -> memref<1x32xf32, #tpu.memory_space<hbm>>
      %dma_wait3A_164 = tpu.memref_squeeze %dma_wait3A_163 : memref<1x32xf32, #tpu.memory_space<hbm>> -> memref<32xf32, #tpu.memory_space<hbm>>
      %dma_wait3A_165 = arith.constant 0 : i32
      %dma_wait3A_166 = tpu.memref_slice %arg5[%add3A, %dma_wait3A_165] : memref<32x32xf32, #tpu.memory_space<hbm>> -> memref<1x32xf32, #tpu.memory_space<hbm>>
      %dma_wait3A_167 = tpu.memref_squeeze %dma_wait3A_166 : memref<1x32xf32, #tpu.memory_space<hbm>> -> memref<32xf32, #tpu.memory_space<hbm>>
      tpu.wait_dma2 semaphore(%run_scoped3A : memref<!tpu.dma_semaphore, #tpu.memory_space<semaphore_mem>>) src(%arg12 : memref<32xf32, #tpu.memory_space<vmem>>) dst(%dma_wait3A_167 : memref<32xf32, #tpu.memory_space<hbm>>)
      tpu.yield
    }) : () -> ()
    return
  }
}

</mosaic_0001>

<sc_bundles>
// kernel: kernel.3.cloned.1.call-start
scs
__scs_entry_jumppad:
0x0: {  	(pc) =	sbr.rel $0x88, $3  }
0x1: {  	(tag) =	ssettag $0x0;
	lr =	simm.s32 $0x1  }
0x2: {  	[smem:$0x3F9E] =	sst lr;
	_ =	strace $0xD0000000  }
0x3: {  	_ = 	snop  }
0x4: {  	_ = 	snop  }
0x5: {  	_ = 	snop  }
0x6: {  	_ = 	snop  }
0x7: {  	_ = 	snop  }
__scs_overlays_trampoline_lowered:
0x8: {  	[smem:$0x3FAD] =	sst s0  }
0x9: {  	[smem:$0x3FAE] =	sst s1  }
0xa: {  	[smem:$0x3FAF] =	sst s2  }
0xb: {  	[smem:$0x3FB0] =	sst s3  }
0xc: {  	[smem:$0x3FB1] =	sst s4  }
0xd: {  	[smem:$0x3FB2] =	sst s5  }
0xe: {  	[smem:$0x3FB3] =	sst s6  }
0xf: {  	[smem:$0x3FB4] =	sst s7  }
0x10: {  	[smem:$0x3FB5] =	sst s8  }
0x11: {  	[smem:$0x3FB6] =	sst s9;
	s0 =	simm.s32 @!p0 $0x0  }
0x12: {  	s1 =	sld [smem:$0x3F9C];
	s0 =	simm.s32 @p0 $0x1  }
0x13: {  	[smem:$0x3FB7] =	sst s0;
	s0 =	simm.s32 @!p1 $0x0  }
0x14: {  	s2 =	sld [smem:$0x3F9B];
	s0 =	simm.s32 @p1 $0x1  }
0x15: {  	[smem:$0x3FB8] =	sst s0;
	s0 =	simm.s32 @!p2 $0x0  }
0x16: {  	s3 =	sld [smem:$0x3FDB];
	s0 =	simm.s32 @p2 $0x1  }
0x17: {  	s4 =	simm.s32 $0x1BF5;
	[smem:$0x3FBA] =	sst s0  }
0x18: {  	s0 =	sld [smem:$0x3F9D];
	_ =	swait.ge [sflag:s4], $0x0  }
0x19: {  	s7 =	sld [smem:$0x3F9E]  }
0x1a: {  	s8 =	sadd.s32 $0xFFFFE003, lr  }
0x1b: {  	s9 =	sadd.s32 $0xFFFFFEF7, lr;
	s5 =	simm.s32 $0xFFFFFFFF;
	p2 =	slt.u32 s8, $0xFFFFF086  }
0x1c: {  	p1 =	slt.u32 s9, $0xF7A;
	s5 =	simm.s32 @!p2 $0x0  }
0x1d: {  	s5 =	simm.s32 @p1 $0x1;
	p0 =	seq.s32 s7, s2  }
0x1e: {  	s7 =	smul.u32 @!p0 $0xF7A, s2;
	p2 =	seq.s32 @!p0 s5, $0x0  }
0x1f: {  	s9 =	smul.u32 $0xF7A, s1;
	s8 =	simm.s32 @!p0 $0x1BF5;
	p2 =	por !p2, p0  }
0x20: {  	[sflag:s8] =	ssyncset.s32 @!p0 $0xFFFFF086;
	s6 =	sadd.s32 @!p0 s3, s7;
	s7 =	simm.s32 @!p0 $0x108  }
0x21: {  	s3 =	sadd.s32 s3, s9;
	s6 =	sadd.s32 @!p0 $0x88, s6;
	s7 =	simm.s32 @p2 $0x1082  }
0x22: {  	[simem:s7], [sflag:s8] =	dma.local @!p0 [hbm:s6], $0xF7A  }
0x23: {  	s9 =	sor.u32 $0xD0000000, s2;
	s6 =	simm.s32 $0x108;
	_ =	swait.ge @!p0 [sflag:s8], $0x0  }
0x24: {  	s3 =	sadd.s32 $0x88, s3;
	s6 =	simm.s32 @!p1 $0x1082;
	[sflag:s4] =	ssyncset.s32 $0xFFFFF086  }
0x25: {  	[simem:s6], [sflag:s4] =	dma.local [hbm:s3], $0xF7A  }
0x26: {  	[smem:$0x3F9E] =	sst s1;
	(tag) =	ssettag s2;
	_ =	strace s9  }
0x27: {  	s1 =	sld [smem:$0x3FAE]  }
0x28: {  	s2 =	sld [smem:$0x3FAF]  }
0x29: {  	s4 =	sld [smem:$0x3FB1]  }
0x2a: {  	p0 =	seq.s32 s5, $0x0;
	s5 =	sld [smem:$0x3FB2]  }
0x2b: {  	s6 =	sld [smem:$0x3FB3]  }
0x2c: {  	s7 =	sld [smem:$0x3FB4]  }
0x2d: {  	s3 =	simm.s32 $0x108;
	s8 =	sld [smem:$0x3FB5]  }
0x2e: {  	s3 =	simm.s32 @!p0 $0x1082;
	s9 =	sld [smem:$0x3FB6]  }
0x2f: {  	lr =	sadd.s32 s0, s3;
	s0 =	sld [smem:$0x3FAD]  }
0x30: {  	s3 =	sld [smem:$0x3FB0]  }
0x31: {  	[smem:$0x3FB9] =	sst s10  }
0x32: {  	s10 =	sld [smem:$0x3FB7];
	_ =	sdelay $0x3  }
0x33: {  	p0 =	seq.s32 s10, $0x1;
	s10 =	sld [smem:$0x3FB9];
	_ =	sdelay $0x3  }
0x34: {  	[smem:$0x3FB9] =	sst s10  }
0x35: {  	s10 =	sld [smem:$0x3FB8];
	_ =	sdelay $0x3  }
0x36: {  	p1 =	seq.s32 s10, $0x1;
	s10 =	sld [smem:$0x3FB9];
	_ =	sdelay $0x3  }
0x37: {  	[smem:$0x3FB9] =	sst s10  }
0x38: {  	s10 =	sld [smem:$0x3FBA]  }
0x39: {  	_ = 	snop;
	(pc) =	sbr.ind lr, $3  }
0x3a: {  	_ = 	snop  }
0x3b: {  	_ = 	snop  }
0x3c: {  	p2 =	seq.s32 s10, $0x1;
	s10 =	sld [smem:$0x3FB9]  }
0x3d: {  	_ =	shalt  }
0x3e: {  	_ =	shalt  }
0x3f: {  	_ =	shalt  }
0x40: {  	_ =	shalt  }
0x41: {  	_ =	shalt  }
0x42: {  	_ =	shalt  }
0x43: {  	_ =	shalt  }
0x44: {  	_ =	shalt  }
0x45: {  	_ =	shalt  }
0x46: {  	_ =	shalt  }
0x47: {  	_ =	shalt  }
0x48: {  	_ =	shalt  }
0x49: {  	_ =	shalt  }
0x4a: {  	_ =	shalt  }
0x4b: {  	_ =	shalt  }
0x4c: {  	_ =	shalt  }
0x4d: {  	_ =	shalt  }
0x4e: {  	_ =	shalt  }
0x4f: {  	_ =	shalt  }
0x50: {  	_ =	shalt  }
0x51: {  	_ =	shalt  }
0x52: {  	_ =	shalt  }
0x53: {  	_ =	shalt  }
0x54: {  	_ =	shalt  }
0x55: {  	_ =	shalt  }
0x56: {  	_ =	shalt  }
0x57: {  	_ =	shalt  }
0x58: {  	_ =	shalt  }
0x59: {  	_ =	shalt  }
0x5a: {  	_ =	shalt  }
0x5b: {  	_ =	shalt  }
0x5c: {  	_ =	shalt  }
0x5d: {  	_ =	shalt  }
0x5e: {  	_ =	shalt  }
0x5f: {  	_ =	shalt  }
0x60: {  	_ =	shalt  }
0x61: {  	_ =	shalt  }
0x62: {  	_ =	shalt  }
0x63: {  	_ =	shalt  }
0x64: {  	_ =	shalt  }
0x65: {  	_ =	shalt  }
0x66: {  	_ =	shalt  }
0x67: {  	_ =	shalt  }
0x68: {  	_ =	shalt  }
0x69: {  	_ =	shalt  }
0x6a: {  	_ =	shalt  }
0x6b: {  	_ =	shalt  }
0x6c: {  	_ =	shalt  }
0x6d: {  	_ =	shalt  }
0x6e: {  	_ =	shalt  }
0x6f: {  	_ =	shalt  }
0x70: {  	_ =	shalt  }
0x71: {  	_ =	shalt  }
0x72: {  	_ =	shalt  }
0x73: {  	_ =	shalt  }
0x74: {  	_ =	shalt  }
0x75: {  	_ =	shalt  }
0x76: {  	_ =	shalt  }
0x77: {  	_ =	shalt  }
0x78: {  	_ =	shalt  }
0x79: {  	_ =	shalt  }
0x7a: {  	_ =	shalt  }
0x7b: {  	_ =	shalt  }
0x7c: {  	_ =	shalt  }
0x7d: {  	_ =	shalt  }
0x7e: {  	_ =	shalt  }
0x7f: {  	_ =	shalt  }
0x80: {  	_ =	shalt  }
0x81: {  	_ =	shalt  }
0x82: {  	_ =	shalt  }
0x83: {  	_ =	shalt  }
0x84: {  	_ =	shalt  }
0x85: {  	_ =	shalt  }
0x86: {  	_ =	shalt  }
0x87: {  	_ =	shalt  }
.Lfunc_end0:
.L_simem_size_0:
called_computation_lowered:
.L_overlay_start_0:
0x88: {  	s2 =	sld [smem:$0x3FD9]  }
0x89: {  	s3 =	sld [smem:$0x3FFE];
	_ =	sdelay $0x1  }
0x8a: {  	s1 =	srdreg.scid  }
0x8b: {  	s0 =	sand.u32 $0x1, s1  }
0x8c: {  	s17 =	sshll.u32 s0, $0xA;
	s2 =	sadd.s32 s3, s2  }
0x8d: {  	s2 =	sadd.s32 s2, s17  }
0x8e: {  	[smem:$0x3FC5] =	sst s2  }
0x8f: {  	_ = 	snop  }
0x90: {  	s2 =	sld [smem:$0x3FC9]  }
0x91: {  	s18 =	sld [smem:$0x3FC8];
	(tm) =	ssettm $0x1  }
0x92: {  	s4 =	sld [smem:$0x3FFB];
	_ =	sdelay $0x3  }
0x93: {  	_ =	strace s4  }
0x94: {  	s4 =	sld [smem:$0x3FFC];
	_ =	sdelay $0x3  }
0x95: {  	_ =	strace s4  }
0x96: {  	s4 =	sld [smem:$0x3FFD];
	_ =	sdelay $0x3  }
0x97: {  	_ =	strace s4  }
0x98: {  	_ =	strace $0x8FFFFFFF  }
0x99: {  	s19 =	sld [smem:$0x3FDB];
	_ =	sdelay $0x1  }
0x9a: {  	s5 =	simm.s32 $_scs_section_size  }
0x9b: {  	s6 =	simm.s32 $_size__tile_overlayer_lowered;
	s7 =	simm.s32 $_tile_overlayer_lowered  }
0x9c: {  	s22 =	simm.s32 $0x1BFF;
	s21 =	sshll.u32 s7, $0x1;
	s4 =	sadd.s32 s5, s19  }
0x9d: {  	s8 =	simm.s32 $0x0;
	s20 =	sshll.u32 s6, $0x1;
	s6 =	sadd.s32 s21, s4  }
0x9e: {  	[timem:s8], [sflag:s22] =	dma.local [hbm:s6], s20  }
0x9f: {  	_ =	swait.ge [sflag:s22], s20  }
0xa0: {  	s5 =	ssub.s32 $0x0, s20;
	[sflag:s22] =	ssyncset.done $0x0  }
0xa1: {  	[sflag:s22] =	ssyncadd.s32 s5;
	_ =	sdelay $0x1  }
0xa2: {  	s23 =	simm.s32 $0x1B8B  }
0xa3: {  	_ =	swait.ge [sflag:s23], $0x1  }
0xa4: {  	[sflag:s23] =	ssyncset.done $0x0  }
0xa5: {  	s25 =	simm.s32 $0x1B8E;
	s24 =	sld [smem:$0x3FFE];
	[sflag:s23] =	ssyncadd.s32 $0xFFFFFFFF  }
0xa6: {  	s26 =	simm.s32 $execute0_lowered;
	[smem:$0x3FD2] =	sst s25  }
0xa7: {  	s6 =	sshll.u32 s26, $0x1;
	_ =	strace $0x80000046;
	[dreg:$0x1] =	wrdreg $0xFFFFFFFF  }
0xa8: {  	s28 =	simm.s32 $_size_execute0_lowered;
	s4 =	sadd.s32 s4, s6;
	[dreg:$0x0] =	wrdreg $0x0  }
0xa9: {  	s6 =	sshll.u32 s28, $0x1;
	[dreg:$0x2] =	wrdreg s4  }
0xaa: {  	[dreg:$0x3] =	wrdreg s6  }
0xab: {  	[dreg:$0x4] =	wrdreg $0xC0  }
0xac: {  	_ =	task [dreg:s8], $0x5FFFF  }
0xad: {  	[dreg:$0x1] =	wrdreg $0xFFFFFFFF  }
0xae: {  	[dreg:$0x0] =	wrdreg $0x60  }
0xaf: {  	[dreg:$0x2] =	wrdreg s2  }
0xb0: {  	[dreg:$0x3] =	wrdreg s18  }
0xb1: {  	[dreg:$0x4] =	wrdreg s24  }
0xb2: {  	[dreg:$0x5] =	wrdreg $0x9  }
0xb3: {  	_ =	task.clear_ibuf [dreg:s8], $0x6FFFF;
	_ =	strace $0x90000046  }
0xb4: {  	s29 =	simm.s32 $0x9;
	_ =	strace $0x80000048  }
0xb5: {  	_ =	swait.ge [sflag:s29], $0x1  }
0xb6: {  	[sflag:s29] =	ssyncadd.s32 $0xFFFFFFFF  }
0xb7: {  	_ =	strace $0x90000048  }
0xb8: {  	_ =	sfence  }
0xb9: {  	s30 =	sld [smem:$0x0];
	_ =	sdelay $0x2  }
0xba: {  	s31 =	sshll.u32 s1, $0xD;
	s1 =	sshrl.u32 s1, $0x2  }
0xbb: {  	s3 =	sand.u32 $0x4000, s31;
	s1 =	sadd.s32 s1, s30  }
0xbc: {  	s0 =	sor.u32 s3, s0;
	s1 =	sshll.u32 s1, $0x11  }
0xbd: {  	s0 =	sor.u32 s1, s0  }
0xbe: {  	s0 =	sadd.s32 $0x8F2B, s0  }
0xbf: {  	[sflag:s0] =	ssyncadd.remote.s32 $0x1  }
0xc0: {  	_ =	sfence.sel $0xFFFF  }
0xc1: {  	[dreg:$0x0] =	wrdreg $0xFFFFFFFF;
	(pc) =	sbr.abs _section_cstart, $3  }
0xc2: {  	[dreg:$0x1] =	wrdreg $0xFFFFFFFF  }
0xc3: {  	_ =	task.clear_ibuf [dreg:s8], $0x2FFFF;
	_ =	strace $0x9FFFFFFF  }
0xc4: {  	(tm) =	ssettm $0x7FFFFFFF  }
0xc5: {  	_ =	shalt  }
tec
execute0_lowered:
.L_overlay_start_1:
0x0: {  	(tag) =	ssettag $0x1  }
0x1: {  	s4 =	rddreg [dreg:$0x0]  }
0x2: {  	s1 =	rddreg [dreg:$0x1]  }
0x3: {  	s5 =	rddreg [dreg:$0x2]  }
0x4: {  	s0 =	rddreg [dreg:$0x3]  }
0x5: {  	s3 =	simm.s32 $0x0;
	s6 =	srdreg.scid;
	s2 =	stileid.u32  }
0x6: {  	s10 =	simm.s32 $0x3;
	s11 =	simm.s32 $0x6080;
	s12 =	simm.s32 $0x6100  }
0x7: {  	s13 =	simm.s32 $0x6180;
	s14 =	simm.s32 $0x2;
	s15 =	simm.s32 $0x1  }
0x8: {  	v0 =	vlaneseq.u32;
	s16 =	simm.s32 $0x6200;
	s17 =	simm.s32 $0x0;
	s6 =	sand.u32 $0x1, s6  }
0x9: {  	v7 =	vimm.s32 $0x14;
	v8 =	vimm.s32 $0x15;
	v9 =	vimm.s32 $0x16;
	[smem:$0x7FF] =	sst s3;
	s7 =	sshll.u32 s2, $0x1;
	s8 =	ssub.s32 $0x2, s6  }
0xa: {  	v10 =	vimm.s32 $0x17;
	v11 =	vimm.s32 $0x18;
	v0 =	vmul.u32 $0x3, v0;
	_ =	strace $0x80000047;
	s6 =	sor.u32 s6, s7;
	s31 =	sshrl.u32 s8, $0x1  }
0xb: {  	v12 =	vimm.s32 $0x19;
	v13 =	vimm.s32 $0x1A;
	v14 =	vimm.s32 $0x1B;
	s9 =	sshll.u32 s6, $0xB;
	s6 =	sshll.u32 s6, $0x4;
	s7 =	ssub.s32 s8, s31  }
0xc: {  	v15 =	vimm.s32 $0x1C;
	v16 =	vimm.s32 $0x1D;
	[tilespmem:$0x1FFE0] =	vst v0;
	v0 =	vadd.s32 $0x1, v0;
	s4 =	sadd.s32 s4, s9;
	s5 =	sadd.s32 s5, s6;
	s8 =	simm.s32 $0x4000  }
0xd: {  	v17 =	vimm.s32 $0x1E;
	v18 =	vimm.s32 $0x1F;
	v19 =	vimm.f32 $0.0e+00;
	[tilespmem:$0x1FFF0] =	vst v0;
	s9 =	simm.s32 $0x6000;
	s6 =	sadd.s32 $0x200, s5;
	s7 =	smax.u32 s7, $0x1  }
.LBB2_1:
0xe: {  	[tilespmem:s3], [sflag:$0x1] =	stream.linear.gather [hbm4b:s4+s3], $0x4000, $0x38;
	[tilespmem:$0x8280] =	vst v63  }
0xf: {  	_ = 	snop  }
0x10: {  	[tilespmem:s8], [sflag:$0x2] =	stream.linear.gather [hbm4b:s1+s3], $0x2000, $0x38;
	[tilespmem:$0x8280] =	vst v63  }
0x11: {  	_ = 	snop  }
0x12: {  	[tilespmem:s9], [sflag:$0x3] =	stream.linear.gather [hbm4b:s5+s3], $0x80, $0x38;
	[tilespmem:$0x8280] =	vst v63  }
0x13: {  	_ =	swait.ge [sflag:s10], $0x80  }
0x14: {  	v0 =	vld [tilespmem:$0x1FFE0]  }
0x15: {  	v1 =	vld [tilespmem:$0x1FFF0];
	_ =	sdelay $0x4  }
0x16: {  	[sflag:s10] =	ssyncset.done $0x0  }
0x17: {  	[sflag:s10] =	ssyncadd.s32 $0xFFFFFF80  }
0x18: {  	v0 =	vld.idx.msk [tilespmem:v0+s9+$0x0], $0xffff  }
0x19: {  	v1 =	vld.idx.msk [tilespmem:v1+s9+$0x0], $0xffff;
	_ =	sdelay $0x4  }
0x1a: {  	v0 =	vmul.f32 $2.560000000e+02, v0;
	v1 =	vmul.f32 $2.560000000e+02, v1;
	_ =	sdelay $0x1  }
0x1b: {  	v2 =	vsub.f32 v1, v0;
	_ =	sdelay $0x1  }
0x1c: {  	[tilespmem:$0x6090] =	vst v0;
	v0 =	vlaneseq.u32;
	v2 =	vand.u32 $0xFFFFFFF0, v2  }
0x1d: {  	[tilespmem:$0x6110] =	vst v1;
	v0 =	vor.u32 v0, v2  }
0x1e: {  	[tilespmem:$0x6190] =	vst v0  }
0x1f: {  	v59 =	vld.idx.msk [tilespmem:v7+s11+$0x0], $0xffff  }
0x20: {  	v60 =	vld.idx.msk [tilespmem:v7+s12+$0x0], $0xffff  }
0x21: {  	v48 =	vld.idx.msk [tilespmem:v7+s13+$0x0], $0xffff  }
0x22: {  	v61 =	vld.idx.msk [tilespmem:v8+s11+$0x0], $0xffff  }
0x23: {  	v62 =	vld.idx.msk [tilespmem:v8+s12+$0x0], $0xffff  }
0x24: {  	v49 =	vld.idx.msk [tilespmem:v8+s13+$0x0], $0xffff  }
0x25: {  	v63 =	vld.idx.msk [tilespmem:v9+s12+$0x0], $0xffff  }
0x26: {  	v50 =	vld.idx.msk [tilespmem:v9+s13+$0x0], $0xffff  }
0x27: {  	v2 =	vld.idx.msk [tilespmem:v10+s11+$0x0], $0xffff  }
0x28: {  	v1 =	vld.idx.msk [tilespmem:v10+s12+$0x0], $0xffff  }
0x29: {  	v44 =	vld.idx.msk [tilespmem:v10+s13+$0x0], $0xffff  }
0x2a: {  	v27 =	vld.idx.msk [tilespmem:v11+s11+$0x0], $0xffff  }
0x2b: {  	v28 =	vld.idx.msk [tilespmem:v11+s12+$0x0], $0xffff  }
0x2c: {  	v43 =	vld.idx.msk [tilespmem:v11+s13+$0x0], $0xffff  }
0x2d: {  	v29 =	vld.idx.msk [tilespmem:v12+s11+$0x0], $0xffff  }
0x2e: {  	v30 =	vld.idx.msk [tilespmem:v12+s12+$0x0], $0xffff  }
0x2f: {  	v24 =	vld.idx.msk [tilespmem:v12+s13+$0x0], $0xffff  }
0x30: {  	v31 =	vld.idx.msk [tilespmem:v13+s11+$0x0], $0xffff  }
0x31: {  	v0 =	vimm.s32 $0x10;
	v32 =	vld.idx.msk [tilespmem:v13+s12+$0x0], $0xffff  }
0x32: {  	v25 =	vld.idx.msk [tilespmem:v13+s13+$0x0], $0xffff  }
0x33: {  	v33 =	vld.idx.msk [tilespmem:v14+s11+$0x0], $0xffff  }
0x34: {  	v34 =	vld.idx.msk [tilespmem:v14+s12+$0x0], $0xffff  }
0x35: {  	v26 =	vld.idx.msk [tilespmem:v14+s13+$0x0], $0xffff  }
0x36: {  	v55 =	vld.idx.msk [tilespmem:v0+s11+$0x0], $0xffff  }
0x37: {  	v56 =	vld.idx.msk [tilespmem:v0+s12+$0x0], $0xffff  }
0x38: {  	v3 =	vld.idx.msk [tilespmem:v0+s13+$0x0], $0xffff;
	v0 =	vimm.s32 $0x11  }
0x39: {  	v36 =	vld.idx.msk [tilespmem:v15+s11+$0x0], $0xffff  }
0x3a: {  	v35 =	vld.idx.msk [tilespmem:v15+s12+$0x0], $0xffff  }
0x3b: {  	v20 =	vld.idx.msk [tilespmem:v15+s13+$0x0], $0xffff  }
0x3c: {  	v37 =	vld.idx.msk [tilespmem:v16+s11+$0x0], $0xffff  }
0x3d: {  	v51 =	vld.idx.msk [tilespmem:v0+s11+$0x0], $0xffff  }
0x3e: {  	v52 =	vld.idx.msk [tilespmem:v0+s12+$0x0], $0xffff  }
0x3f: {  	v45 =	vld.idx.msk [tilespmem:v0+s13+$0x0], $0xffff;
	v0 =	vimm.s32 $0x12  }
0x40: {  	v38 =	vld.idx.msk [tilespmem:v16+s12+$0x0], $0xffff  }
0x41: {  	v21 =	vld.idx.msk [tilespmem:v16+s13+$0x0], $0xffff  }
0x42: {  	v39 =	vld.idx.msk [tilespmem:v17+s11+$0x0], $0xffff  }
0x43: {  	v40 =	vld.idx.msk [tilespmem:v17+s12+$0x0], $0xffff  }
0x44: {  	v53 =	vld.idx.msk [tilespmem:v0+s11+$0x0], $0xffff  }
0x45: {  	v54 =	vld.idx.msk [tilespmem:v0+s12+$0x0], $0xffff  }
0x46: {  	v46 =	vld.idx.msk [tilespmem:v0+s13+$0x0], $0xffff;
	v0 =	vimm.s32 $0x13  }
0x47: {  	v22 =	vld.idx.msk [tilespmem:v17+s13+$0x0], $0xffff  }
0x48: {  	v41 =	vld.idx.msk [tilespmem:v18+s11+$0x0], $0xffff  }
0x49: {  	v42 =	vld.idx.msk [tilespmem:v18+s12+$0x0], $0xffff  }
0x4a: {  	v23 =	vld.idx.msk [tilespmem:v18+s13+$0x0], $0xffff  }
0x4b: {  	v58 =	vld.idx.msk [tilespmem:v0+s11+$0x0], $0xffff  }
0x4c: {  	v57 =	vld.idx.msk [tilespmem:v0+s12+$0x0], $0xffff  }
0x4d: {  	v47 =	vld.idx.msk [tilespmem:v0+s13+$0x0], $0xffff  }
0x4e: {  	v0 =	vld.idx.msk [tilespmem:v9+s11+$0x0], $0xffff;
	_ =	swait.ge [sflag:s14], $0x2000  }
0x4f: {  	[sflag:s14] =	ssyncset.done $0x0  }
0x50: {  	s18 =	simm.s32 $0x0;
	[sflag:s14] =	ssyncadd.s32 $0xFFFFE000  }
0x51: {  	v4 =	vld [tilespmem:s18+$0x4000];
	_ =	sdelay $0x4  }
0x52: {  	v4 =	vmul.f32 $2.560000000e+02, v4  }
0x53: {  	v3 =	vmin.u32 v3, $0x7FFFFFFF  }
0x54: {  	vm2 =	vge.f32 v4, v0;
	vm0 =	vge.f32 v4, v2;
	vm1 =	vle.f32 v4, v1  }
0x55: {  	vm4 =	vge.f32 v4, v61;
	vm5 =	vle.f32 v4, v62;
	vm3 =	vle.f32 v4, v63  }
0x56: {  	vm6 =	vge.f32 v4, v58;
	vm7 =	vge.f32 v4, v59;
	vm8 =	vle.f32 v4, v60  }
0x57: {  	vm9 =	vge.f32 v4, v55;
	vm10 =	vle.f32 v4, v56;
	vm11 =	vle.f32 v4, v57  }
0x58: {  	vm12 =	vle.f32 v4, v52;
	vm13 =	vle.f32 v4, v54;
	vm9 =	vmand vm9, vm10  }
0x59: {  	vm10 =	vge.f32 v4, v51;
	v5 =	vnsel vm9, $0x7FFFFFFF, v3;
	vm9 =	vge.f32 v4, v53  }
0x5a: {  	vm10 =	vmand vm10, vm12;
	v4 =	vmin.u32 v5, v45;
	vm9 =	vmand vm9, vm13  }
0x5b: {  	s19 =	simm.s32 $0x10;
	v4 =	vsel vm10, v4, v5;
	v5 =	vnsel vm9, $0x7FFFFFFF, v46  }
0x5c: {  	vm6 =	vmand vm6, vm11;
	v5 =	vmin.u32 v4, v5;
	v4 =	vld [tilespmem:s19+$0x4000]  }
0x5d: {  	v6 =	vnsel vm6, $0x7FFFFFFF, v47;
	vm6 =	vmand vm7, vm8  }
0x5e: {  	s20 =	simm.s32 $0x80;
	vm4 =	vmand vm4, vm5;
	v5 =	vmin.u32 v5, v6;
	v6 =	vnsel vm6, $0x7FFFFFFF, v48  }
.LBB2_2:
0x5f: {  	p0 =	sne.s32 s20, $0x7FC0;
	v5 =	vmin.u32 v5, v6;
	v6 =	vnsel vm4, $0x7FFFFFFF, v49;
	vm2 =	vmand vm2, vm3  }
0x60: {  	vm0 =	vmand vm0, vm1;
	v5 =	vmin.u32 v5, v6;
	v6 =	vnsel vm2, $0x7FFFFFFF, v50  }
0x61: {  	v4 =	vmul.f32 $2.560000000e+02, v4;
	v5 =	vmin.u32 v5, v6;
	v6 =	vnsel vm0, $0x7FFFFFFF, v44  }
0x62: {  	v5 =	vmin.u32 v5, v6  }
0x63: {  	vm2 =	vge.f32 v4, v0;
	vm0 =	vge.f32 v4, v2;
	vm1 =	vle.f32 v4, v1;
	[tilespmem:s18+$0x6280] =	vst v5;
	s18 =	smov.u32 s19  }
0x64: {  	vm4 =	vge.f32 v4, v61;
	vm5 =	vle.f32 v4, v62;
	vm3 =	vle.f32 v4, v63  }
0x65: {  	vm6 =	vge.f32 v4, v58;
	vm7 =	vge.f32 v4, v59;
	vm8 =	vle.f32 v4, v60  }
0x66: {  	vm9 =	vge.f32 v4, v55;
	vm10 =	vle.f32 v4, v56;
	vm11 =	vle.f32 v4, v57  }
0x67: {  	vm12 =	vle.f32 v4, v52;
	vm9 =	vmand vm9, vm10;
	vm10 =	vge.f32 v4, v51  }
.Ltmp0:
0x68: {  	vm13 =	vle.f32 v4, v54;
	v5 =	vnsel vm9, $0x7FFFFFFF, v3;
	vm9 =	vge.f32 v4, v53;
	(pc) =	sbr.rel @p0 .LBB2_2-.Ltmp0, $4  }
0x69: {  	s19 =	sshra.s32 s20, $0x2;
	vm10 =	vmand vm10, vm12;
	v6 =	vmin.u32 v5, v45;
	vm9 =	vmand vm9, vm13  }
0x6a: {  	vm6 =	vmand vm6, vm11;
	v5 =	vsel vm10, v6, v5;
	v6 =	vnsel vm9, $0x7FFFFFFF, v46;
	v4 =	vld [tilespmem:s19+$0x4000]  }
0x6b: {  	v5 =	vmin.u32 v5, v6;
	v6 =	vnsel vm6, $0x7FFFFFFF, v47;
	vm6 =	vmand vm7, vm8  }
0x6c: {  	s20 =	sadd.s32 $0x40, s20;
	vm4 =	vmand vm4, vm5;
	v5 =	vmin.u32 v5, v6;
	v6 =	vnsel vm6, $0x7FFFFFFF, v48  }
0x6d: {  	v5 =	vmin.u32 v5, v6  }
0x6e: {  	v6 =	vnsel vm4, $0x7FFFFFFF, v49;
	vm2 =	vmand vm2, vm3;
	vm0 =	vmand vm0, vm1  }
0x6f: {  	v5 =	vmin.u32 v5, v6;
	v6 =	vnsel vm2, $0x7FFFFFFF, v50;
	v4 =	vmul.f32 $2.560000000e+02, v4  }
0x70: {  	v5 =	vmin.u32 v5, v6;
	v6 =	vnsel vm0, $0x7FFFFFFF, v44  }
0x71: {  	vm2 =	vge.f32 v4, v0;
	vm0 =	vge.f32 v4, v2;
	vm1 =	vle.f32 v4, v1  }
0x72: {  	vm3 =	vge.f32 v4, v61;
	vm4 =	vle.f32 v4, v62;
	vm5 =	vle.f32 v4, v63  }
0x73: {  	vm6 =	vge.f32 v4, v58;
	vm7 =	vge.f32 v4, v59;
	vm8 =	vle.f32 v4, v60  }
0x74: {  	vm9 =	vge.f32 v4, v55;
	vm10 =	vle.f32 v4, v56;
	vm11 =	vle.f32 v4, v57  }
0x75: {  	vm12 =	vle.f32 v4, v52;
	vm13 =	vle.f32 v4, v54;
	vm9 =	vmand vm9, vm10  }
0x76: {  	vm10 =	vge.f32 v4, v51;
	v0 =	vnsel vm9, $0x7FFFFFFF, v3;
	vm9 =	vge.f32 v4, v53  }
0x77: {  	vm10 =	vmand vm10, vm12;
	v1 =	vmin.u32 v0, v45;
	vm9 =	vmand vm9, vm13  }
0x78: {  	vm6 =	vmand vm6, vm11;
	v0 =	vsel vm10, v1, v0;
	v1 =	vnsel vm9, $0x7FFFFFFF, v46  }
0x79: {  	v0 =	vmin.u32 v0, v1;
	v1 =	vnsel vm6, $0x7FFFFFFF, v47;
	vm6 =	vmand vm7, vm8  }
0x7a: {  	vm3 =	vmand vm3, vm4;
	v0 =	vmin.u32 v0, v1;
	v1 =	vnsel vm6, $0x7FFFFFFF, v48  }
0x7b: {  	vm2 =	vmand vm2, vm5;
	v0 =	vmin.u32 v0, v1;
	v1 =	vnsel vm3, $0x7FFFFFFF, v49  }
0x7c: {  	vm0 =	vmand vm0, vm1;
	v0 =	vmin.u32 v0, v1;
	v1 =	vnsel vm2, $0x7FFFFFFF, v50  }
0x7d: {  	v2 =	vmin.u32 v5, v6;
	v0 =	vmin.u32 v0, v1;
	v1 =	vnsel vm0, $0x7FFFFFFF, v44  }
0x7e: {  	[tilespmem:s18+$0x6280] =	vst v2;
	v0 =	vmin.u32 v0, v1  }
0x7f: {  	[tilespmem:s19+$0x6280] =	vst v0  }
0x80: {  	_ =	swait.ge [sflag:s15], $0x4000  }
0x81: {  	[sflag:s15] =	ssyncset.done $0x0  }
0x82: {  	s26 =	simm.s32 $0x4000;
	[sflag:s15] =	ssyncadd.s32 $0xFFFFC000  }
0x83: {  	v0 =	vld [tilespmem:s26+$0x0];
	_ =	sdelay $0x4  }
0x84: {  	v0 =	vmul.f32 $2.560000000e+02, v0  }
0x85: {  	v44 =	vmin.u32 v43, $0x7FFFFFFF  }
0x86: {  	vm0 =	vge.f32 v0, v41;
	vm2 =	vge.f32 v0, v39;
	vm3 =	vle.f32 v0, v40  }
0x87: {  	vm1 =	vle.f32 v0, v42;
	vm4 =	vge.f32 v0, v36;
	vm5 =	vge.f32 v0, v37  }
0x88: {  	vm6 =	vle.f32 v0, v38;
	vm7 =	vge.f32 v0, v33;
	vm8 =	vle.f32 v0, v34  }
0x89: {  	vm9 =	vle.f32 v0, v35;
	vm10 =	vge.f32 v0, v27;
	vm11 =	vle.f32 v0, v28  }
0x8a: {  	vm12 =	vge.f32 v0, v29;
	vm13 =	vle.f32 v0, v30;
	vm10 =	vmand vm10, vm11  }
0x8b: {  	vm14 =	vle.f32 v0, v32;
	vm11 =	vge.f32 v0, v31;
	v1 =	vnsel vm10, $0x7FFFFFFF, v44  }
0x8c: {  	vm15 =	vmand vm12, vm13;
	vm11 =	vmand vm11, vm14;
	v2 =	vmin.u32 v1, v24  }
0x8d: {  	s20 =	simm.s32 $0x4010;
	vm7 =	vmand vm7, vm8;
	v1 =	vsel vm15, v2, v1;
	v2 =	vnsel vm11, $0x7FFFFFFF, v25  }
0x8e: {  	s29 =	simm.s32 $0x6280;
	v4 =	vld [tilespmem:s20+$0x0];
	vm4 =	vmand vm4, vm9;
	v3 =	vnsel vm7, $0x7FFFFFFF, v26;
	v1 =	vmin.u32 v1, v2  }
0x8f: {  	vm5 =	vmand vm5, vm6;
	v2 =	vld [tilespmem:s29+$0x0];
	v1 =	vmin.u32 v1, v3;
	v3 =	vnsel vm4, $0x7FFFFFFF, v20  }
0x90: {  	vm2 =	vmand vm2, vm3;
	v5 =	vnsel vm5, $0x7FFFFFFF, v21;
	v1 =	vmin.u32 v1, v3  }
0x91: {  	vm0 =	vmand vm0, vm1;
	v6 =	vnsel vm2, $0x7FFFFFFF, v22;
	v1 =	vmin.u32 v1, v5  }
0x92: {  	v5 =	vnsel vm0, $0x7FFFFFFF, v23;
	v1 =	vmin.u32 v1, v6  }
0x93: {  	v1 =	vmin.u32 v1, v5  }
0x94: {  	v45 =	vmul.f32 $2.560000000e+02, v4;
	v43 =	vmin.u32 v1, v2  }
0x95: {  	v2 =	vand.u32 $0xF, v43  }
0x96: {  	vm1 =	vge.f32 v45, v39;
	v2 =	vor.u32 $0x10, v2  }
0x97: {  	s28 =	simm.s32 $0x0;
	vm3 =	vle.f32 v45, v42;
	vm6 =	vle.f32 v45, v38;
	vm8 =	vle.f32 v45, v34  }
0x98: {  	s30 =	sand.u32 $0x70, s28;
	s18 =	sand.u32 $0x3F00, s28;
	vm9 =	vle.f32 v45, v35;
	vm12 =	vge.f32 v45, v31;
	vm13 =	vge.f32 v45, v27  }
0x99: {  	s18 =	sor.u32 s30, s18;
	vm2 =	vle.f32 v45, v40;
	vm5 =	vge.f32 v45, v37;
	vm7 =	vge.f32 v45, v33  }
0x9a: {  	vm10 =	vge.f32 v45, v29;
	vm14 =	vle.f32 v45, v28;
	vm1 =	vmand vm1, vm2;
	v3 =	vld [tilespmem:s18+$0x0]  }
0x9b: {  	vm2 =	vmand vm13, vm14;
	vm5 =	vmand vm5, vm6;
	vm11 =	vle.f32 v45, v30;
	v4 =	vld.idx.msk [tilespmem:v2+s11+$0x0], $0xffff  }
0x9c: {  	vm15 =	vle.f32 v45, v32;
	vm4 =	vge.f32 v45, v36;
	vm0 =	vge.f32 v45, v41;
	v2 =	vld.idx.msk [tilespmem:v2+s12+$0x0], $0xffff  }
0x9d: {  	v58 =	vld [tilespmem:s18+$0x80];
	v61 =	vnsel vm5, $0x7FFFFFFF, v21;
	vm4 =	vmand vm4, vm9;
	vm0 =	vmand vm0, vm3  }
0x9e: {  	vm3 =	vmand vm7, vm8;
	vm7 =	vmand vm12, vm15;
	v5 =	vnsel vm2, $0x7FFFFFFF, v44  }
0x9f: {  	vm2 =	vmand vm10, vm11;
	v59 =	vnsel vm3, $0x7FFFFFFF, v26;
	v6 =	vmin.u32 v5, v24  }
0xa0: {  	s20 =	simm.s32 $0x4020;
	v1 =	vmax.f32 v3, $0.0e+00;
	v5 =	vsel vm2, v6, v5;
	v6 =	vnsel vm7, $0x7FFFFFFF, v25  }
0xa1: {  	v62 =	vld [tilespmem:s20+$0x0];
	v5 =	vmin.u32 v5, v6;
	v4 =	vsub.f32 v0, v4;
	v0 =	vsub.f32 v2, v0  }
0xa2: {  	s19 =	simm.s32 $0x6290;
	v3 =	vmax.f32 v58, $0.0e+00;
	v2 =	vmin.u32 v5, v59;
	v5 =	vnsel vm4, $0x7FFFFFFF, v20  }
0xa3: {  	s31 =	simm.s32 $0x10;
	s18 =	simm.s32 $0x20;
	v6 =	vld [tilespmem:s19+$0x0];
	v60 =	vadd.f32 v3, v1;
	v2 =	vmin.u32 v2, v5;
	v63 =	vadd.f32 v0, v4  }
0xa4: {  	s21 =	sand.u32 $0x70, s31;
	s22 =	sand.u32 $0x3F00, s18;
	v1 =	vmin.f32 v1, v4;
	v0 =	vmin.f32 v3, v0;
	v3 =	vnsel vm1, $0x7FFFFFFF, v22  }
0xa5: {  	s21 =	sor.u32 s21, s22;
	v2 =	vmin.u32 v2, v61;
	v49 =	vadd.f32 v0, v1;
	v0 =	vadd.f32 v60, v63  }
0xa6: {  	v52 =	vmul.f32 $2.560000000e+02, v62;
	v5 =	vld [tilespmem:s21+$0x0];
	v1 =	vmin.u32 v2, v3;
	v2 =	vnsel vm0, $0x7FFFFFFF, v23  }
0xa7: {  	v46 =	vimm.f32 $0.0e+00;
	v4 =	vld [tilespmem:s21+$0x80];
	v1 =	vmin.u32 v1, v2;
	v0 =	vsub.f32 v0, v49  }
0xa8: {  	v47 =	vimm.f32 $0.0e+00;
	vm6 =	vle.f32 v52, v38;
	v48 =	vmin.u32 v1, v6  }
0xa9: {  	vm5 =	vge.f32 v52, v36;
	v1 =	vand.u32 $0xF, v48;
	v2 =	vmax.f32 v0, $1.192092900e-07  }
0xaa: {  	vm3 =	vle.f32 v52, v40;
	v0 =	vor.u32 $0x10, v1;
	(erf) = vrcp.f32 v2  }
0xab: {  	vm2 =	vle.f32 v52, v42;
	vm4 =	vge.f32 v52, v37;
	vm1 =	vge.f32 v52, v39  }
0xac: {  	s22 =	simm.s32 $0x30;
	s21 =	simm.s32 $0x20;
	vm0 =	vge.f32 v52, v41;
	v50 =	vmax.f32 v5, $0.0e+00;
	v51 =	vmax.f32 v4, $0.0e+00  }
.LBB2_4:
0xad: {  	p0 =	sne.s32 s22, $0x1FF0;
	vm7 =	vge.f32 v52, v33;
	vm8 =	vle.f32 v52, v34;
	vm9 =	vle.f32 v52, v35  }
0xae: {  	vm10 =	vge.f32 v52, v29;
	vm11 =	vle.f32 v52, v30;
	vm12 =	vge.f32 v52, v31  }
0xaf: {  	vm13 =	vge.f32 v52, v27;
	vm14 =	vle.f32 v52, v28;
	vm15 =	vle.f32 v52, v32;
	v1 =	vld.idx.msk [tilespmem:v0+s11+$0x0], $0xffff  }
0xb0: {  	vm3 =	vmand vm1, vm3;
	vm0 =	vmand vm0, vm2;
	v2 =	vadd.f32 v51, v50;
	v0 =	vld.idx.msk [tilespmem:v0+s12+$0x0], $0xffff  }
0xb1: {  	vm4 =	vmand vm4, vm6;
	vm2 =	vmand vm7, vm8;
	vm1 =	vmand vm5, vm9  }
0xb2: {  	vm5 =	vmand vm13, vm14;
	vm6 =	vmand vm10, vm11;
	vm7 =	vmand vm12, vm15  }
0xb3: {  	v4 =	vnsel vm4, $0x7FFFFFFF, v21;
	v5 =	vnsel vm3, $0x7FFFFFFF, v22;
	v3 =	vnsel vm5, $0x7FFFFFFF, v44;
	v6 =	vpop (erf)  }
0xb4: {  	v54 =	vnsel vm2, $0x7FFFFFFF, v26;
	v53 =	vmin.u32 v3, v24;
	v6 =	vmul.f32 v6, v49  }
0xb5: {  	s18 =	sadd.s32 $0x20, s18;
	s19 =	sadd.s32 $0x10, s19;
	v3 =	vsel vm6, v53, v3;
	v49 =	vnsel vm7, $0x7FFFFFFF, v25;
	v1 =	vsub.f32 v45, v1  }
0xb6: {  	s21 =	sand.u32 $0x70, s21;
	s20 =	sadd.s32 $0x10, s20;
	s23 =	sand.u32 $0x3F00, s18;
	v3 =	vmin.u32 v3, v49;
	v0 =	vsub.f32 v0, v45;
	v45 =	vmovc v52;
	v53 =	vld [tilespmem:s19+$0x0];
	v6 =	vsub.f32 $1.000000000e+00, v6  }
0xb7: {  	s23 =	sor.u32 s21, s23;
	s21 =	smov.u32 s22;
	v49 =	vnsel vm1, $0x7FFFFFFF, v20;
	vm1 =	vlt.u32 v43, $0x7FFFFFFF;
	v43 =	vmovc v48;
	v3 =	vmin.u32 v3, v54;
	v52 =	vld [tilespmem:s20+$0x0]  }
0xb8: {  	v3 =	vmin.u32 v3, v49;
	v48 =	vadd.f32 v0, v1;
	v54 =	vld [tilespmem:s23+$0x0];
	v6 =	vnsel vm1, $0x0, v6  }
0xb9: {  	v1 =	vmin.f32 v50, v1;
	v0 =	vmin.f32 v51, v0;
	v55 =	vld [tilespmem:s23+$0x80];
	v46 =	vadd.f32 v6, v46  }
0xba: {  	v3 =	vmin.u32 v3, v4;
	v49 =	vadd.f32 v0, v1;
	v0 =	vadd.f32 v2, v48  }
0xbb: {  	v1 =	vmin.u32 v3, v5;
	v2 =	vnsel vm0, $0x7FFFFFFF, v23;
	v3 =	vsel vm1, $0x3F800000, v19  }
0xbc: {  	v1 =	vmin.u32 v1, v2;
	v47 =	vadd.f32 v3, v47;
	v0 =	vsub.f32 v0, v49  }
.Ltmp1:
0xbd: {  	v48 =	vmin.u32 v1, v53;
	v52 =	vmul.f32 $2.560000000e+02, v52;
	v50 =	vmax.f32 v54, $0.0e+00;
	(pc) =	sbr.rel @p0 .LBB2_4-.Ltmp1, $4  }
0xbe: {  	v1 =	vand.u32 $0xF, v48;
	v2 =	vmax.f32 v0, $1.192092900e-07;
	v51 =	vmax.f32 v55, $0.0e+00  }
0xbf: {  	v0 =	vor.u32 $0x10, v1;
	vm0 =	vge.f32 v52, v41;
	(erf) = vrcp.f32 v2  }
0xc0: {  	vm1 =	vge.f32 v52, v39;
	vm3 =	vle.f32 v52, v40;
	vm2 =	vle.f32 v52, v42  }
0xc1: {  	s22 =	sadd.s32 $0x10, s22;
	vm5 =	vge.f32 v52, v36;
	vm4 =	vge.f32 v52, v37;
	vm6 =	vle.f32 v52, v38  }
0xc2: {  	vm7 =	vge.f32 v52, v33;
	vm8 =	vle.f32 v52, v34  }
0xc3: {  	vm9 =	vle.f32 v52, v35;
	vm10 =	vge.f32 v52, v27;
	vm11 =	vle.f32 v52, v28  }
0xc4: {  	vm12 =	vge.f32 v52, v29;
	vm13 =	vle.f32 v52, v30;
	vm10 =	vmand vm10, vm11  }
0xc5: {  	vm14 =	vle.f32 v52, v32;
	vm11 =	vge.f32 v52, v31;
	v1 =	vnsel vm10, $0x7FFFFFFF, v44  }
0xc6: {  	vm12 =	vmand vm12, vm13;
	vm11 =	vmand vm11, vm14;
	v2 =	vmin.u32 v1, v24  }
0xc7: {  	vm7 =	vmand vm7, vm8;
	v39 =	vnsel vm11, $0x7FFFFFFF, v25;
	v1 =	vsel vm12, v2, v1  }
0xc8: {  	s19 =	sadd.s32 $0x10, s19;
	vm5 =	vmand vm5, vm9;
	v3 =	vnsel vm7, $0x7FFFFFFF, v26;
	v1 =	vmin.u32 v1, v39  }
0xc9: {  	vm4 =	vmand vm4, vm6;
	v40 =	vld [tilespmem:s19+$0x0];
	v41 =	vnsel vm5, $0x7FFFFFFF, v20;
	v1 =	vmin.u32 v1, v3  }
0xca: {  	vm1 =	vmand vm1, vm3;
	v4 =	vnsel vm4, $0x7FFFFFFF, v21;
	v1 =	vmin.u32 v1, v41  }
0xcb: {  	vm0 =	vmand vm0, vm2;
	v42 =	vnsel vm1, $0x7FFFFFFF, v22;
	v1 =	vmin.u32 v1, v4  }
0xcc: {  	v44 =	vnsel vm0, $0x7FFFFFFF, v23;
	v1 =	vmin.u32 v1, v42  }
0xcd: {  	v1 =	vmin.u32 v1, v44  }
0xce: {  	v1 =	vmin.u32 v1, v40  }
0xcf: {  	v2 =	vand.u32 $0xF, v1  }
0xd0: {  	v2 =	vor.u32 $0x10, v2  }
0xd1: {  	s18 =	sadd.s32 $0x20, s18  }
0xd2: {  	v53 =	vld.idx.msk [tilespmem:v0+s11+$0x0], $0xffff;
	s31 =	sand.u32 $0x70, s21;
	s18 =	sand.u32 $0x3F00, s18  }
0xd3: {  	v54 =	vld.idx.msk [tilespmem:v0+s12+$0x0], $0xffff;
	s18 =	sor.u32 s31, s18  }
0xd4: {  	v6 =	vld [tilespmem:s18+$0x80]  }
0xd5: {  	v5 =	vld.idx.msk [tilespmem:v2+s11+$0x0], $0xffff  }
0xd6: {  	v2 =	vld.idx.msk [tilespmem:v2+s12+$0x0], $0xffff  }
0xd7: {  	v4 =	vld [tilespmem:s18+$0x0]  }
0xd8: {  	v0 =	vsub.f32 v54, v45;
	v3 =	vsub.f32 v45, v53  }
0xd9: {  	v20 =	vadd.f32 v51, v50  }
0xda: {  	v56 =	vmin.f32 v51, v0;
	v55 =	vmin.f32 v50, v3;
	v0 =	vadd.f32 v0, v3  }
0xdb: {  	v6 =	vmax.f32 v6, $0.0e+00;
	v5 =	vsub.f32 v52, v5;
	v2 =	vsub.f32 v2, v52  }
0xdc: {  	v57 =	vadd.f32 v56, v55;
	v0 =	vadd.f32 v20, v0;
	v4 =	vmax.f32 v4, $0.0e+00  }
0xdd: {  	v20 =	vadd.f32 v6, v4;
	v58 =	vadd.f32 v2, v5  }
0xde: {  	v0 =	vsub.f32 v0, v57;
	v4 =	vmin.f32 v4, v5;
	v2 =	vmin.f32 v6, v2  }
0xdf: {  	v2 =	vadd.f32 v2, v4;
	v4 =	vadd.f32 v20, v58;
	_ =	sdelay $0x1  }
0xe0: {  	v0 =	vmax.f32 v0, $1.192092900e-07;
	v4 =	vsub.f32 v4, v2  }
0xe1: {  	(erf) = vrcp.f32 v0  }
0xe2: {  	v59 =	vmax.f32 v4, $1.192092900e-07  }
0xe3: {  	(erf) = vrcp.f32 v59;
	_ =	sdelay $0x4  }
0xe4: {  	v60 =	vpop (erf)  }
0xe5: {  	v0 =	vmul.f32 v60, v49  }
0xe6: {  	v4 =	vpop (erf)  }
0xe7: {  	v0 =	vsub.f32 $1.000000000e+00, v0;
	v3 =	vmul.f32 v4, v57  }
0xe8: {  	vm13 =	vlt.u32 v43, $0x7FFFFFFF;
	v4 =	vpop (erf)  }
0xe9: {  	v0 =	vnsel vm13, $0x0, v0;
	v3 =	vsub.f32 $1.000000000e+00, v3;
	v2 =	vmul.f32 v4, v2  }
0xea: {  	vm14 =	vlt.u32 v48, $0x7FFFFFFF;
	v0 =	vadd.f32 v0, v46;
	v4 =	vsel vm13, $0x3F800000, v19  }
0xeb: {  	v3 =	vnsel vm14, $0x0, v3;
	v4 =	vadd.f32 v4, v47;
	v2 =	vsub.f32 $1.000000000e+00, v2  }
0xec: {  	v61 =	vsel vm14, $0x3F800000, v19;
	vm15 =	vlt.u32 v1, $0x7FFFFFFF;
	v0 =	vadd.f32 v3, v0  }
0xed: {  	v62 =	vadd.f32 v61, v4;
	v2 =	vnsel vm15, $0x0, v2  }
0xee: {  	v63 =	vsel vm15, $0x3F800000, v19;
	v0 =	vadd.f32 v2, v0  }
0xef: {  	s17 =	sadd.s32 $0x1, s17;
	v1 =	vadd.f32 v63, v62  }
0xf0: {  	p0 =	sne.s32 s17, s7;
	[tilespmem:$0x6200] =	vst v0  }
.Ltmp2:
0xf1: {  	[tilespmem:$0x6210] =	vst v1;
	(pc) =	sbr.rel @p0 .LBB2_1-.Ltmp2, $4  }
0xf2: {  	[hbm4b:s6+s3] =	stream.linear.scatter [tilespmem:s16], [sflag:$0x3], $0x80, $0x38;
	[tilespmem:$0x8280] =	vst v63  }
0xf3: {  	_ =	swait.ge [sflag:s10], $0x80  }
0xf4: {  	[sflag:s10] =	ssyncset.done $0x0  }
0xf5: {  	[sflag:s10] =	ssyncadd.s32 $0xFFFFFF80  }
0xf6: {  	_ =	sfence.sel $0x180000  }
0xf7: {  	[bflag:$0x0] =	sbarrier.arrive $0xFFFF  }
0xf8: {  	p0 =	sne.s32 s2, $0x0;
	_ =	strace $0x90000047  }
0xf9: {  	s0 =	sadd.s32 @!p0 $0x100000, s0;
	[bflag:$0x2] =	sbarrier.arrive $0xFFFF  }
0xfa: {  	[sflag:s0] =	ssyncadd.tile.s32 @!p0 $0x1;
	_ =	shalt  }
.Lfunc_end2:
_tile_overlayer_lowered:
.L_overlay_start_2:
0xfb: {  	(tag) =	ssettag $0x2  }
0xfc: {  	s0 =	rddreg [dreg:$0x0];
	s2 =	stileid.u32  }
0xfd: {  	s1 =	rddreg [dreg:$0x1];
	p0 =	sne.s32 s2, $0x0  }
0xfe: {  	s3 =	rddreg [dreg:$0x2];
	[bflag:$0x3] =	sbarrier.arrive $0xFFFF;
	s2 =	simm.s32 @!p0 $0x1C03  }
0xff: {  	[timem:s3], [sflag:s2] =	dma.local @!p0 [hbm:s0], s1  }
0x100: {  	s0 =	simm.s32 @!p0 $0x3  }
0x101: {  	_ =	swait.ge @!p0 [sflag:s0], s1  }
0x102: {  	s1 =	ssub.s32 @!p0 $0x0, s1;
	[sflag:s0] =	ssyncset.done @!p0 $0x0  }
0x103: {  	[sflag:s0] =	ssyncadd.s32 @!p0 s1  }
0x104: {  	[bflag:$0x3] =	sbarrier.arrive $0xFFFF  }
0x105: {  	_ =	shalt  }

</sc_bundles>
